<compile_context>
chip_gen: v7x
topology: tpu7x:2x2x1
jax: 0.10.2.dev20260603
libtpu: 0.0.44.dev20260713+nightly
codegen_flags: <defaults>
</compile_context>

<pallas_src>
import functools

import jax
import jax.numpy as jnp
from jax import lax
from jax.experimental import pallas as pl
from jax.experimental.pallas import tpu as pltpu
from jax.experimental.pallas import tpu_sc as plsc

VOCAB = 1000000
EMBED_DIM = 64
BATCH = 4096
SEQ = 200

_NC = 2
_NS = 16
_NW = _NC * _NS

_B = BATCH * SEQ
_CHUNK = 128
_PER_W = _B // _NW
_NCHUNK = _PER_W // _CHUNK
_NBUF = 4


def _emb_kernel(idx_hbm, table_hbm, out_hbm, idx_v, rows_v, sems):
    wid = lax.axis_index("s") * _NC + lax.axis_index("c")
    chunk0 = wid * _NCHUNK
    row0 = wid * _PER_W

    pltpu.sync_copy(idx_hbm.at[pl.ds(chunk0, _NCHUNK)], idx_v)

    def start_gather(j, slot):
        pltpu.async_copy(table_hbm.at[idx_v.at[j]], rows_v.at[slot],
                         sems.at[slot])

    def wait_gather(j, slot):
        pltpu.make_async_copy(table_hbm.at[idx_v.at[j]], rows_v.at[slot],
                              sems.at[slot]).wait()

    def write_out(j, slot):
        pltpu.sync_copy(rows_v.at[slot],
                        out_hbm.at[pl.ds(row0 + j * _CHUNK, _CHUNK)])

    for b in range(_NBUF):
        start_gather(b, b)

    @pl.loop(0, _NCHUNK - _NBUF, step=_NBUF)
    def _(g):
        for b in range(_NBUF):
            j = g + b
            wait_gather(j, b)
            write_out(j, b)
            start_gather(j + _NBUF, b)

    for b in range(_NBUF):
        j = _NCHUNK - _NBUF + b
        wait_gather(j, b)
        write_out(j, b)


@jax.jit
def _emb_lookup(idx2d, table):
    mesh = plsc.VectorSubcoreMesh(core_axis_name="c", subcore_axis_name="s")
    run = pl.kernel(
        _emb_kernel,
        out_type=jax.ShapeDtypeStruct((_B, EMBED_DIM), jnp.float32),
        mesh=mesh,
        scratch_types=[
            pltpu.VMEM((_NCHUNK, _CHUNK), jnp.int32),
            pltpu.VMEM((_NBUF, _CHUNK, EMBED_DIM), jnp.float32),
            pltpu.SemaphoreType.DMA((_NBUF,)),
        ],
        compiler_params=pltpu.CompilerParams(use_tc_tiling_on_sc=False),
    )
    return run(idx2d, table)


def kernel(inputs, table):
    idx2d = inputs.reshape(_B // _CHUNK, _CHUNK).astype(jnp.int32)
    out = _emb_lookup(idx2d, table)
    return out.reshape(BATCH, SEQ, EMBED_DIM)

# --- scband reference (transcript-rebuilt; emitter-appended) ---
"""Pipeline reference for scband-embedding-layer-28355374088267 (READ-ONLY COPY).

The authoritative reference and input builder live on the scoring server;
editing this copy changes nothing except your own understanding.
"""

import jax, jax.numpy as jnp
import numpy as np

VOCAB = 1000000
EMBED_DIM = 64
BATCH = 4096
SEQ = 200

def setup_inputs(seed: int = 0) -> dict:
    key = jax.random.key(seed)
    k_idx, k_tab = jax.random.split(key)
    inputs = jax.random.randint(k_idx, (BATCH, SEQ), 0, VOCAB, dtype=jnp.int64 if jax.config.read('jax_enable_x64') else jnp.int32)
    # embedding table initialized uniform(-0.05, 0.05) as in the torch module
    table = jax.random.uniform(k_tab, (VOCAB, EMBED_DIM), dtype=jnp.float32, minval=-0.05, maxval=0.05)
    return {"inputs": inputs, "table": table}

def reference(inputs, table):
    # Embedding lookup: gather rows of the table by integer id
    return jnp.take(table, inputs, axis=0)

if __name__ == "__main__":
    import jax
    _d = setup_inputs()
    print(jax.jit(kernel)(*tuple(_d.values())))

</pallas_src>

<mosaic_0001>
#map = affine_map<(d0, d1) -> (0, 0)>
module attributes {stable_mosaic.version = 14 : i64} {
  func.func @_emb_kernel(%arg0: i32, %arg1: i32, %arg2: memref<6400x128xi32, #tpu.memory_space<hbm>>, %arg3: memref<1000000x64xf32, #tpu.memory_space<hbm>>, %arg4: memref<819200x64xf32, #tpu.memory_space<hbm>>, %arg5: memref<200x128xi32, #tpu.memory_space<vmem>>, %arg6: memref<4x128x64xf32, #tpu.memory_space<vmem>>, %arg7: memref<4x!tpu.dma_semaphore, #tpu.memory_space<semaphore_mem>>) attributes {dimension_semantics = [#tpu.dimension_semantics<core_parallel>, #tpu.dimension_semantics<subcore_parallel>], iteration_bounds = array<i64: 2, 16>, scalar_prefetch = 0 : i64, scratch_operands = 3 : i64, tpu.core_type = #tpu.core_type<sc_vector_subcore>, window_params = [{transform_indices = #map}, {transform_indices = #map}, {transform_indices = #map}]} {
    %mul3A = arith.constant 2 : i32
    %mul3A_0 = arith.muli %arg1, %mul3A : i32
    %add3A = arith.addi %mul3A_0, %arg0 : i32
    %mul3A_1 = arith.constant 200 : i32
    %mul3A_2 = arith.muli %add3A, %mul3A_1 : i32
    %mul3A_3 = arith.constant 25600 : i32
    %mul3A_4 = arith.muli %add3A, %mul3A_3 : i32
    "tpu.region"() ({
      %run_scoped3A_138 = tpu.sem_alloc : memref<!tpu.dma_semaphore, #tpu.memory_space<semaphore_mem>>
      %dma_start3A_139 = arith.constant 0 : i32
      %dma_start3A_140 = tpu.memref_slice %arg2[%mul3A_2, %dma_start3A_139] : memref<6400x128xi32, #tpu.memory_space<hbm>> -> memref<200x128xi32, #tpu.memory_space<hbm>>
      %dma_start3A_141 = arith.constant 0 : i32
      %dma_start3A_142 = tpu.memref_slice %arg2[%mul3A_2, %dma_start3A_141] : memref<6400x128xi32, #tpu.memory_space<hbm>> -> memref<200x128xi32, #tpu.memory_space<hbm>>
      tpu.enqueue_dma source(%dma_start3A_142 : memref<200x128xi32, #tpu.memory_space<hbm>>) target(%arg5 : memref<200x128xi32, #tpu.memory_space<vmem>>) target_semaphore(%run_scoped3A_138 : memref<!tpu.dma_semaphore, #tpu.memory_space<semaphore_mem>>)
      %dma_wait3A_143 = arith.constant 0 : i32
      %dma_wait3A_144 = tpu.memref_slice %arg2[%mul3A_2, %dma_wait3A_143] : memref<6400x128xi32, #tpu.memory_space<hbm>> -> memref<200x128xi32, #tpu.memory_space<hbm>>
      %dma_wait3A_145 = arith.constant 0 : i32
      %dma_wait3A_146 = tpu.memref_slice %arg2[%mul3A_2, %dma_wait3A_145] : memref<6400x128xi32, #tpu.memory_space<hbm>> -> memref<200x128xi32, #tpu.memory_space<hbm>>
      tpu.wait_dma2 semaphore(%run_scoped3A_138 : memref<!tpu.dma_semaphore, #tpu.memory_space<semaphore_mem>>) src(%dma_wait3A_146 : memref<200x128xi32, #tpu.memory_space<hbm>>) dst(%arg5 : memref<200x128xi32, #tpu.memory_space<vmem>>)
      tpu.yield
    }) : () -> ()
    %dma_start3A = arith.constant 0 : i32
    %dma_start3A_5 = arith.constant 0 : i32
    %dma_start3A_6 = arith.constant 0 : i32
    %dma_start3A_7 = arith.constant 0 : i32
    %dma_start3A_8 = arith.constant 0 : i32
    %dma_start3A_9 = tpu.memref_slice %arg6[%dma_start3A_5, %dma_start3A_7, %dma_start3A_8] : memref<4x128x64xf32, #tpu.memory_space<vmem>> -> memref<1x128x64xf32, #tpu.memory_space<vmem>>
    %dma_start3A_10 = tpu.memref_squeeze %dma_start3A_9 : memref<1x128x64xf32, #tpu.memory_space<vmem>> -> memref<128x64xf32, #tpu.memory_space<vmem>>
    %dma_start3A_11 = arith.constant 0 : i32
    %dma_start3A_12 = tpu.memref_slice %arg5[%dma_start3A, %dma_start3A_11] : memref<200x128xi32, #tpu.memory_space<vmem>> -> memref<1x128xi32, #tpu.memory_space<vmem>>
    %dma_start3A_13 = tpu.memref_squeeze %dma_start3A_12 : memref<1x128xi32, #tpu.memory_space<vmem>> -> memref<128xi32, #tpu.memory_space<vmem>>
    %dma_start3A_14 = arith.constant 0 : i32
    %dma_start3A_15 = arith.constant 0 : i32
    %dma_start3A_16 = tpu.memref_slice %arg3[%dma_start3A_14, %dma_start3A_15] : memref<1000000x64xf32, #tpu.memory_space<hbm>> -> memref<1000000x64xf32, #tpu.memory_space<hbm>>
    %dma_start3A_17 = tpu.memref_slice %arg7[%dma_start3A_6] : memref<4x!tpu.dma_semaphore, #tpu.memory_space<semaphore_mem>> -> memref<1x!tpu.dma_semaphore, #tpu.memory_space<semaphore_mem>>
    %dma_start3A_18 = tpu.memref_squeeze %dma_start3A_17 : memref<1x!tpu.dma_semaphore, #tpu.memory_space<semaphore_mem>> -> memref<!tpu.dma_semaphore, #tpu.memory_space<semaphore_mem>>
    tpu.enqueue_indirect_dma source(%dma_start3A_16 : memref<1000000x64xf32, #tpu.memory_space<hbm>>) target(%dma_start3A_10 : memref<128x64xf32, #tpu.memory_space<vmem>>) offsets(%dma_start3A_13 : memref<128xi32, #tpu.memory_space<vmem>>) semaphore(%dma_start3A_18 : memref<!tpu.dma_semaphore, #tpu.memory_space<semaphore_mem>>)
    %dma_start3A_19 = arith.constant 1 : i32
    %dma_start3A_20 = arith.constant 1 : i32
    %dma_start3A_21 = arith.constant 1 : i32
    %dma_start3A_22 = arith.constant 0 : i32
    %dma_start3A_23 = arith.constant 0 : i32
    %dma_start3A_24 = tpu.memref_slice %arg6[%dma_start3A_20, %dma_start3A_22, %dma_start3A_23] : memref<4x128x64xf32, #tpu.memory_space<vmem>> -> memref<1x128x64xf32, #tpu.memory_space<vmem>>
    %dma_start3A_25 = tpu.memref_squeeze %dma_start3A_24 : memref<1x128x64xf32, #tpu.memory_space<vmem>> -> memref<128x64xf32, #tpu.memory_space<vmem>>
    %dma_start3A_26 = arith.constant 0 : i32
    %dma_start3A_27 = tpu.memref_slice %arg5[%dma_start3A_19, %dma_start3A_26] : memref<200x128xi32, #tpu.memory_space<vmem>> -> memref<1x128xi32, #tpu.memory_space<vmem>>
    %dma_start3A_28 = tpu.memref_squeeze %dma_start3A_27 : memref<1x128xi32, #tpu.memory_space<vmem>> -> memref<128xi32, #tpu.memory_space<vmem>>
    %dma_start3A_29 = arith.constant 0 : i32
    %dma_start3A_30 = arith.constant 0 : i32
    %dma_start3A_31 = tpu.memref_slice %arg3[%dma_start3A_29, %dma_start3A_30] : memref<1000000x64xf32, #tpu.memory_space<hbm>> -> memref<1000000x64xf32, #tpu.memory_space<hbm>>
    %dma_start3A_32 = tpu.memref_slice %arg7[%dma_start3A_21] : memref<4x!tpu.dma_semaphore, #tpu.memory_space<semaphore_mem>> -> memref<1x!tpu.dma_semaphore, #tpu.memory_space<semaphore_mem>>
    %dma_start3A_33 = tpu.memref_squeeze %dma_start3A_32 : memref<1x!tpu.dma_semaphore, #tpu.memory_space<semaphore_mem>> -> memref<!tpu.dma_semaphore, #tpu.memory_space<semaphore_mem>>
    tpu.enqueue_indirect_dma source(%dma_start3A_31 : memref<1000000x64xf32, #tpu.memory_space<hbm>>) target(%dma_start3A_25 : memref<128x64xf32, #tpu.memory_space<vmem>>) offsets(%dma_start3A_28 : memref<128xi32, #tpu.memory_space<vmem>>) semaphore(%dma_start3A_33 : memref<!tpu.dma_semaphore, #tpu.memory_space<semaphore_mem>>)
    %dma_start3A_34 = arith.constant 2 : i32
    %dma_start3A_35 = arith.constant 2 : i32
    %dma_start3A_36 = arith.constant 2 : i32
    %dma_start3A_37 = arith.constant 0 : i32
    %dma_start3A_38 = arith.constant 0 : i32
    %dma_start3A_39 = tpu.memref_slice %arg6[%dma_start3A_35, %dma_start3A_37, %dma_start3A_38] : memref<4x128x64xf32, #tpu.memory_space<vmem>> -> memref<1x128x64xf32, #tpu.memory_space<vmem>>
    %dma_start3A_40 = tpu.memref_squeeze %dma_start3A_39 : memref<1x128x64xf32, #tpu.memory_space<vmem>> -> memref<128x64xf32, #tpu.memory_space<vmem>>
    %dma_start3A_41 = arith.constant 0 : i32
    %dma_start3A_42 = tpu.memref_slice %arg5[%dma_start3A_34, %dma_start3A_41] : memref<200x128xi32, #tpu.memory_space<vmem>> -> memref<1x128xi32, #tpu.memory_space<vmem>>
    %dma_start3A_43 = tpu.memref_squeeze %dma_start3A_42 : memref<1x128xi32, #tpu.memory_space<vmem>> -> memref<128xi32, #tpu.memory_space<vmem>>
    %dma_start3A_44 = arith.constant 0 : i32
    %dma_start3A_45 = arith.constant 0 : i32
    %dma_start3A_46 = tpu.memref_slice %arg3[%dma_start3A_44, %dma_start3A_45] : memref<1000000x64xf32, #tpu.memory_space<hbm>> -> memref<1000000x64xf32, #tpu.memory_space<hbm>>
    %dma_start3A_47 = tpu.memref_slice %arg7[%dma_start3A_36] : memref<4x!tpu.dma_semaphore, #tpu.memory_space<semaphore_mem>> -> memref<1x!tpu.dma_semaphore, #tpu.memory_space<semaphore_mem>>
    %dma_start3A_48 = tpu.memref_squeeze %dma_start3A_47 : memref<1x!tpu.dma_semaphore, #tpu.memory_space<semaphore_mem>> -> memref<!tpu.dma_semaphore, #tpu.memory_space<semaphore_mem>>
    tpu.enqueue_indirect_dma source(%dma_start3A_46 : memref<1000000x64xf32, #tpu.memory_space<hbm>>) target(%dma_start3A_40 : memref<128x64xf32, #tpu.memory_space<vmem>>) offsets(%dma_start3A_43 : memref<128xi32, #tpu.memory_space<vmem>>) semaphore(%dma_start3A_48 : memref<!tpu.dma_semaphore, #tpu.memory_space<semaphore_mem>>)
    %dma_start3A_49 = arith.constant 3 : i32
    %dma_start3A_50 = arith.constant 3 : i32
    %dma_start3A_51 = arith.constant 3 : i32
    %dma_start3A_52 = arith.constant 0 : i32
    %dma_start3A_53 = arith.constant 0 : i32
    %dma_start3A_54 = tpu.memref_slice %arg6[%dma_start3A_50, %dma_start3A_52, %dma_start3A_53] : memref<4x128x64xf32, #tpu.memory_space<vmem>> -> memref<1x128x64xf32, #tpu.memory_space<vmem>>
    %dma_start3A_55 = tpu.memref_squeeze %dma_start3A_54 : memref<1x128x64xf32, #tpu.memory_space<vmem>> -> memref<128x64xf32, #tpu.memory_space<vmem>>
    %dma_start3A_56 = arith.constant 0 : i32
    %dma_start3A_57 = tpu.memref_slice %arg5[%dma_start3A_49, %dma_start3A_56] : memref<200x128xi32, #tpu.memory_space<vmem>> -> memref<1x128xi32, #tpu.memory_space<vmem>>
    %dma_start3A_58 = tpu.memref_squeeze %dma_start3A_57 : memref<1x128xi32, #tpu.memory_space<vmem>> -> memref<128xi32, #tpu.memory_space<vmem>>
    %dma_start3A_59 = arith.constant 0 : i32
    %dma_start3A_60 = arith.constant 0 : i32
    %dma_start3A_61 = tpu.memref_slice %arg3[%dma_start3A_59, %dma_start3A_60] : memref<1000000x64xf32, #tpu.memory_space<hbm>> -> memref<1000000x64xf32, #tpu.memory_space<hbm>>
    %dma_start3A_62 = tpu.memref_slice %arg7[%dma_start3A_51] : memref<4x!tpu.dma_semaphore, #tpu.memory_space<semaphore_mem>> -> memref<1x!tpu.dma_semaphore, #tpu.memory_space<semaphore_mem>>
    %dma_start3A_63 = tpu.memref_squeeze %dma_start3A_62 : memref<1x!tpu.dma_semaphore, #tpu.memory_space<semaphore_mem>> -> memref<!tpu.dma_semaphore, #tpu.memory_space<semaphore_mem>>
    tpu.enqueue_indirect_dma source(%dma_start3A_61 : memref<1000000x64xf32, #tpu.memory_space<hbm>>) target(%dma_start3A_55 : memref<128x64xf32, #tpu.memory_space<vmem>>) offsets(%dma_start3A_58 : memref<128xi32, #tpu.memory_space<vmem>>) semaphore(%dma_start3A_63 : memref<!tpu.dma_semaphore, #tpu.memory_space<semaphore_mem>>)
    %scan3A = arith.constant 0 : i32
    %scan3A_64 = arith.constant 49 : i32
    %scan3A_65 = arith.addi %scan3A, %scan3A_64 : i32
    %scan3A_66 = arith.constant 1 : i32
    scf.for %scan3A_138 = %scan3A to %scan3A_65 step %scan3A_66  : i32 {
      %mul3A_139 = arith.constant 4 : i32
      %mul3A_140 = arith.muli %scan3A_138, %mul3A_139 : i32
      %add3A_141 = arith.constant 0 : i32
      %add3A_142 = arith.addi %add3A_141, %mul3A_140 : i32
      %add3A_143 = arith.constant 0 : i32
      %add3A_144 = arith.addi %add3A_142, %add3A_143 : i32
      %dma_wait3A_145 = arith.constant 0 : i32
      %dma_wait3A_146 = arith.constant 0 : i32
      %dma_wait3A_147 = arith.constant 0 : i32
      %dma_wait3A_148 = arith.constant 0 : i32
      %dma_wait3A_149 = tpu.memref_slice %arg6[%dma_wait3A_145, %dma_wait3A_147, %dma_wait3A_148] : memref<4x128x64xf32, #tpu.memory_space<vmem>> -> memref<1x128x64xf32, #tpu.memory_space<vmem>>
      %dma_wait3A_150 = tpu.memref_squeeze %dma_wait3A_149 : memref<1x128x64xf32, #tpu.memory_space<vmem>> -> memref<128x64xf32, #tpu.memory_space<vmem>>
      %dma_wait3A_151 = arith.constant 0 : i32
      %dma_wait3A_152 = tpu.memref_slice %arg5[%add3A_144, %dma_wait3A_151] : memref<200x128xi32, #tpu.memory_space<vmem>> -> memref<1x128xi32, #tpu.memory_space<vmem>>
      %dma_wait3A_153 = tpu.memref_squeeze %dma_wait3A_152 : memref<1x128xi32, #tpu.memory_space<vmem>> -> memref<128xi32, #tpu.memory_space<vmem>>
      %dma_wait3A_154 = arith.constant 0 : i32
      %dma_wait3A_155 = arith.constant 0 : i32
      %dma_wait3A_156 = tpu.memref_slice %arg3[%dma_wait3A_154, %dma_wait3A_155] : memref<1000000x64xf32, #tpu.memory_space<hbm>> -> memref<1000000x64xf32, #tpu.memory_space<hbm>>
      %dma_wait3A_157 = tpu.memref_slice %arg7[%dma_wait3A_146] : memref<4x!tpu.dma_semaphore, #tpu.memory_space<semaphore_mem>> -> memref<1x!tpu.dma_semaphore, #tpu.memory_space<semaphore_mem>>
      %dma_wait3A_158 = tpu.memref_squeeze %dma_wait3A_157 : memref<1x!tpu.dma_semaphore, #tpu.memory_space<semaphore_mem>> -> memref<!tpu.dma_semaphore, #tpu.memory_space<semaphore_mem>>
      tpu.wait_indirect_dma semaphore(%dma_wait3A_158 : memref<!tpu.dma_semaphore, #tpu.memory_space<semaphore_mem>>) src(%dma_wait3A_156 : memref<1000000x64xf32, #tpu.memory_space<hbm>>) dst(%dma_wait3A_150 : memref<128x64xf32, #tpu.memory_space<vmem>>)
      %mul3A_159 = arith.constant 128 : i32
      %mul3A_160 = arith.muli %add3A_144, %mul3A_159 : i32
      %add3A_161 = arith.addi %mul3A_4, %mul3A_160 : i32
      %run_scoped3A_162 = arith.constant 0 : i32
      "tpu.region"() ({
        %run_scoped3A_287 = tpu.sem_alloc : memref<!tpu.dma_semaphore, #tpu.memory_space<semaphore_mem>>
        %dma_start3A_288 = arith.constant 0 : i32
        %dma_start3A_289 = arith.constant 0 : i32
        %dma_start3A_290 = tpu.memref_slice %arg6[%run_scoped3A_162, %dma_start3A_288, %dma_start3A_289] : memref<4x128x64xf32, #tpu.memory_space<vmem>> -> memref<1x128x64xf32, #tpu.memory_space<vmem>>
        %dma_start3A_291 = tpu.memref_squeeze %dma_start3A_290 : memref<1x128x64xf32, #tpu.memory_space<vmem>> -> memref<128x64xf32, #tpu.memory_space<vmem>>
        %dma_start3A_292 = arith.constant 0 : i32
        %dma_start3A_293 = tpu.memref_slice %arg4[%add3A_161, %dma_start3A_292] : memref<819200x64xf32, #tpu.memory_space<hbm>> -> memref<128x64xf32, #tpu.memory_space<hbm>>
        %dma_start3A_294 = arith.constant 0 : i32
        %dma_start3A_295 = tpu.memref_slice %arg4[%add3A_161, %dma_start3A_294] : memref<819200x64xf32, #tpu.memory_space<hbm>> -> memref<128x64xf32, #tpu.memory_space<hbm>>
        %dma_start3A_296 = arith.constant 0 : i32
        %dma_start3A_297 = arith.constant 0 : i32
        %dma_start3A_298 = tpu.memref_slice %arg6[%run_scoped3A_162, %dma_start3A_296, %dma_start3A_297] : memref<4x128x64xf32, #tpu.memory_space<vmem>> -> memref<1x128x64xf32, #tpu.memory_space<vmem>>
        %dma_start3A_299 = tpu.memref_squeeze %dma_start3A_298 : memref<1x128x64xf32, #tpu.memory_space<vmem>> -> memref<128x64xf32, #tpu.memory_space<vmem>>
        tpu.enqueue_dma source(%dma_start3A_299 : memref<128x64xf32, #tpu.memory_space<vmem>>) target(%dma_start3A_295 : memref<128x64xf32, #tpu.memory_space<hbm>>) target_semaphore(%run_scoped3A_287 : memref<!tpu.dma_semaphore, #tpu.memory_space<semaphore_mem>>)
        %dma_wait3A_300 = arith.constant 0 : i32
        %dma_wait3A_301 = arith.constant 0 : i32
        %dma_wait3A_302 = tpu.memref_slice %arg6[%run_scoped3A_162, %dma_wait3A_300, %dma_wait3A_301] : memref<4x128x64xf32, #tpu.memory_space<vmem>> -> memref<1x128x64xf32, #tpu.memory_space<vmem>>
        %dma_wait3A_303 = tpu.memref_squeeze %dma_wait3A_302 : memref<1x128x64xf32, #tpu.memory_space<vmem>> -> memref<128x64xf32, #tpu.memory_space<vmem>>
        %dma_wait3A_304 = arith.constant 0 : i32
        %dma_wait3A_305 = tpu.memref_slice %arg4[%add3A_161, %dma_wait3A_304] : memref<819200x64xf32, #tpu.memory_space<hbm>> -> memref<128x64xf32, #tpu.memory_space<hbm>>
        %dma_wait3A_306 = arith.constant 0 : i32
        %dma_wait3A_307 = tpu.memref_slice %arg4[%add3A_161, %dma_wait3A_306] : memref<819200x64xf32, #tpu.memory_space<hbm>> -> memref<128x64xf32, #tpu.memory_space<hbm>>
        %dma_wait3A_308 = arith.constant 0 : i32
        %dma_wait3A_309 = arith.constant 0 : i32
        %dma_wait3A_310 = tpu.memref_slice %arg6[%run_scoped3A_162, %dma_wait3A_308, %dma_wait3A_309] : memref<4x128x64xf32, #tpu.memory_space<vmem>> -> memref<1x128x64xf32, #tpu.memory_space<vmem>>
        %dma_wait3A_311 = tpu.memref_squeeze %dma_wait3A_310 : memref<1x128x64xf32, #tpu.memory_space<vmem>> -> memref<128x64xf32, #tpu.memory_space<vmem>>
        tpu.wait_dma2 semaphore(%run_scoped3A_287 : memref<!tpu.dma_semaphore, #tpu.memory_space<semaphore_mem>>) src(%dma_wait3A_311 : memref<128x64xf32, #tpu.memory_space<vmem>>) dst(%dma_wait3A_307 : memref<128x64xf32, #tpu.memory_space<hbm>>)
        tpu.yield
      }) : () -> ()
      %add3A_163 = arith.constant 4 : i32
      %add3A_164 = arith.addi %add3A_144, %add3A_163 : i32
      %dma_start3A_165 = arith.constant 0 : i32
      %dma_start3A_166 = arith.constant 0 : i32
      %dma_start3A_167 = arith.constant 0 : i32
      %dma_start3A_168 = arith.constant 0 : i32
      %dma_start3A_169 = tpu.memref_slice %arg6[%dma_start3A_165, %dma_start3A_167, %dma_start3A_168] : memref<4x128x64xf32, #tpu.memory_space<vmem>> -> memref<1x128x64xf32, #tpu.memory_space<vmem>>
      %dma_start3A_170 = tpu.memref_squeeze %dma_start3A_169 : memref<1x128x64xf32, #tpu.memory_space<vmem>> -> memref<128x64xf32, #tpu.memory_space<vmem>>
      %dma_start3A_171 = arith.constant 0 : i32
      %dma_start3A_172 = tpu.memref_slice %arg5[%add3A_164, %dma_start3A_171] : memref<200x128xi32, #tpu.memory_space<vmem>> -> memref<1x128xi32, #tpu.memory_space<vmem>>
      %dma_start3A_173 = tpu.memref_squeeze %dma_start3A_172 : memref<1x128xi32, #tpu.memory_space<vmem>> -> memref<128xi32, #tpu.memory_space<vmem>>
      %dma_start3A_174 = arith.constant 0 : i32
      %dma_start3A_175 = arith.constant 0 : i32
      %dma_start3A_176 = tpu.memref_slice %arg3[%dma_start3A_174, %dma_start3A_175] : memref<1000000x64xf32, #tpu.memory_space<hbm>> -> memref<1000000x64xf32, #tpu.memory_space<hbm>>
      %dma_start3A_177 = tpu.memref_slice %arg7[%dma_start3A_166] : memref<4x!tpu.dma_semaphore, #tpu.memory_space<semaphore_mem>> -> memref<1x!tpu.dma_semaphore, #tpu.memory_space<semaphore_mem>>
      %dma_start3A_178 = tpu.memref_squeeze %dma_start3A_177 : memref<1x!tpu.dma_semaphore, #tpu.memory_space<semaphore_mem>> -> memref<!tpu.dma_semaphore, #tpu.memory_space<semaphore_mem>>
      tpu.enqueue_indirect_dma source(%dma_start3A_176 : memref<1000000x64xf32, #tpu.memory_space<hbm>>) target(%dma_start3A_170 : memref<128x64xf32, #tpu.memory_space<vmem>>) offsets(%dma_start3A_173 : memref<128xi32, #tpu.memory_space<vmem>>) semaphore(%dma_start3A_178 : memref<!tpu.dma_semaphore, #tpu.memory_space<semaphore_mem>>)
      %add3A_179 = arith.constant 1 : i32
      %add3A_180 = arith.addi %add3A_142, %add3A_179 : i32
      %dma_wait3A_181 = arith.constant 1 : i32
      %dma_wait3A_182 = arith.constant 1 : i32
      %dma_wait3A_183 = arith.constant 0 : i32
      %dma_wait3A_184 = arith.constant 0 : i32
      %dma_wait3A_185 = tpu.memref_slice %arg6[%dma_wait3A_181, %dma_wait3A_183, %dma_wait3A_184] : memref<4x128x64xf32, #tpu.memory_space<vmem>> -> memref<1x128x64xf32, #tpu.memory_space<vmem>>
      %dma_wait3A_186 = tpu.memref_squeeze %dma_wait3A_185 : memref<1x128x64xf32, #tpu.memory_space<vmem>> -> memref<128x64xf32, #tpu.memory_space<vmem>>
      %dma_wait3A_187 = arith.constant 0 : i32
      %dma_wait3A_188 = tpu.memref_slice %arg5[%add3A_180, %dma_wait3A_187] : memref<200x128xi32, #tpu.memory_space<vmem>> -> memref<1x128xi32, #tpu.memory_space<vmem>>
      %dma_wait3A_189 = tpu.memref_squeeze %dma_wait3A_188 : memref<1x128xi32, #tpu.memory_space<vmem>> -> memref<128xi32, #tpu.memory_space<vmem>>
      %dma_wait3A_190 = arith.constant 0 : i32
      %dma_wait3A_191 = arith.constant 0 : i32
      %dma_wait3A_192 = tpu.memref_slice %arg3[%dma_wait3A_190, %dma_wait3A_191] : memref<1000000x64xf32, #tpu.memory_space<hbm>> -> memref<1000000x64xf32, #tpu.memory_space<hbm>>
      %dma_wait3A_193 = tpu.memref_slice %arg7[%dma_wait3A_182] : memref<4x!tpu.dma_semaphore, #tpu.memory_space<semaphore_mem>> -> memref<1x!tpu.dma_semaphore, #tpu.memory_space<semaphore_mem>>
      %dma_wait3A_194 = tpu.memref_squeeze %dma_wait3A_193 : memref<1x!tpu.dma_semaphore, #tpu.memory_space<semaphore_mem>> -> memref<!tpu.dma_semaphore, #tpu.memory_space<semaphore_mem>>
      tpu.wait_indirect_dma semaphore(%dma_wait3A_194 : memref<!tpu.dma_semaphore, #tpu.memory_space<semaphore_mem>>) src(%dma_wait3A_192 : memref<1000000x64xf32, #tpu.memory_space<hbm>>) dst(%dma_wait3A_186 : memref<128x64xf32, #tpu.memory_space<vmem>>)
      %mul3A_195 = arith.constant 128 : i32
      %mul3A_196 = arith.muli %add3A_180, %mul3A_195 : i32
      %add3A_197 = arith.addi %mul3A_4, %mul3A_196 : i32
      %run_scoped3A_198 = arith.constant 1 : i32
      "tpu.region"() ({
        %run_scoped3A_287 = tpu.sem_alloc : memref<!tpu.dma_semaphore, #tpu.memory_space<semaphore_mem>>
        %dma_start3A_288 = arith.constant 0 : i32
        %dma_start3A_289 = arith.constant 0 : i32
        %dma_start3A_290 = tpu.memref_slice %arg6[%run_scoped3A_198, %dma_start3A_288, %dma_start3A_289] : memref<4x128x64xf32, #tpu.memory_space<vmem>> -> memref<1x128x64xf32, #tpu.memory_space<vmem>>
        %dma_start3A_291 = tpu.memref_squeeze %dma_start3A_290 : memref<1x128x64xf32, #tpu.memory_space<vmem>> -> memref<128x64xf32, #tpu.memory_space<vmem>>
        %dma_start3A_292 = arith.constant 0 : i32
        %dma_start3A_293 = tpu.memref_slice %arg4[%add3A_197, %dma_start3A_292] : memref<819200x64xf32, #tpu.memory_space<hbm>> -> memref<128x64xf32, #tpu.memory_space<hbm>>
        %dma_start3A_294 = arith.constant 0 : i32
        %dma_start3A_295 = tpu.memref_slice %arg4[%add3A_197, %dma_start3A_294] : memref<819200x64xf32, #tpu.memory_space<hbm>> -> memref<128x64xf32, #tpu.memory_space<hbm>>
        %dma_start3A_296 = arith.constant 0 : i32
        %dma_start3A_297 = arith.constant 0 : i32
        %dma_start3A_298 = tpu.memref_slice %arg6[%run_scoped3A_198, %dma_start3A_296, %dma_start3A_297] : memref<4x128x64xf32, #tpu.memory_space<vmem>> -> memref<1x128x64xf32, #tpu.memory_space<vmem>>
        %dma_start3A_299 = tpu.memref_squeeze %dma_start3A_298 : memref<1x128x64xf32, #tpu.memory_space<vmem>> -> memref<128x64xf32, #tpu.memory_space<vmem>>
        tpu.enqueue_dma source(%dma_start3A_299 : memref<128x64xf32, #tpu.memory_space<vmem>>) target(%dma_start3A_295 : memref<128x64xf32, #tpu.memory_space<hbm>>) target_semaphore(%run_scoped3A_287 : memref<!tpu.dma_semaphore, #tpu.memory_space<semaphore_mem>>)
        %dma_wait3A_300 = arith.constant 0 : i32
        %dma_wait3A_301 = arith.constant 0 : i32
        %dma_wait3A_302 = tpu.memref_slice %arg6[%run_scoped3A_198, %dma_wait3A_300, %dma_wait3A_301] : memref<4x128x64xf32, #tpu.memory_space<vmem>> -> memref<1x128x64xf32, #tpu.memory_space<vmem>>
        %dma_wait3A_303 = tpu.memref_squeeze %dma_wait3A_302 : memref<1x128x64xf32, #tpu.memory_space<vmem>> -> memref<128x64xf32, #tpu.memory_space<vmem>>
        %dma_wait3A_304 = arith.constant 0 : i32
        %dma_wait3A_305 = tpu.memref_slice %arg4[%add3A_197, %dma_wait3A_304] : memref<819200x64xf32, #tpu.memory_space<hbm>> -> memref<128x64xf32, #tpu.memory_space<hbm>>
        %dma_wait3A_306 = arith.constant 0 : i32
        %dma_wait3A_307 = tpu.memref_slice %arg4[%add3A_197, %dma_wait3A_306] : memref<819200x64xf32, #tpu.memory_space<hbm>> -> memref<128x64xf32, #tpu.memory_space<hbm>>
        %dma_wait3A_308 = arith.constant 0 : i32
        %dma_wait3A_309 = arith.constant 0 : i32
        %dma_wait3A_310 = tpu.memref_slice %arg6[%run_scoped3A_198, %dma_wait3A_308, %dma_wait3A_309] : memref<4x128x64xf32, #tpu.memory_space<vmem>> -> memref<1x128x64xf32, #tpu.memory_space<vmem>>
        %dma_wait3A_311 = tpu.memref_squeeze %dma_wait3A_310 : memref<1x128x64xf32, #tpu.memory_space<vmem>> -> memref<128x64xf32, #tpu.memory_space<vmem>>
        tpu.wait_dma2 semaphore(%run_scoped3A_287 : memref<!tpu.dma_semaphore, #tpu.memory_space<semaphore_mem>>) src(%dma_wait3A_311 : memref<128x64xf32, #tpu.memory_space<vmem>>) dst(%dma_wait3A_307 : memref<128x64xf32, #tpu.memory_space<hbm>>)
        tpu.yield
      }) : () -> ()
      %add3A_199 = arith.constant 4 : i32
      %add3A_200 = arith.addi %add3A_180, %add3A_199 : i32
      %dma_start3A_201 = arith.constant 1 : i32
      %dma_start3A_202 = arith.constant 1 : i32
      %dma_start3A_203 = arith.constant 0 : i32
      %dma_start3A_204 = arith.constant 0 : i32
      %dma_start3A_205 = tpu.memref_slice %arg6[%dma_start3A_201, %dma_start3A_203, %dma_start3A_204] : memref<4x128x64xf32, #tpu.memory_space<vmem>> -> memref<1x128x64xf32, #tpu.memory_space<vmem>>
      %dma_start3A_206 = tpu.memref_squeeze %dma_start3A_205 : memref<1x128x64xf32, #tpu.memory_space<vmem>> -> memref<128x64xf32, #tpu.memory_space<vmem>>
      %dma_start3A_207 = arith.constant 0 : i32
      %dma_start3A_208 = tpu.memref_slice %arg5[%add3A_200, %dma_start3A_207] : memref<200x128xi32, #tpu.memory_space<vmem>> -> memref<1x128xi32, #tpu.memory_space<vmem>>
      %dma_start3A_209 = tpu.memref_squeeze %dma_start3A_208 : memref<1x128xi32, #tpu.memory_space<vmem>> -> memref<128xi32, #tpu.memory_space<vmem>>
      %dma_start3A_210 = arith.constant 0 : i32
      %dma_start3A_211 = arith.constant 0 : i32
      %dma_start3A_212 = tpu.memref_slice %arg3[%dma_start3A_210, %dma_start3A_211] : memref<1000000x64xf32, #tpu.memory_space<hbm>> -> memref<1000000x64xf32, #tpu.memory_space<hbm>>
      %dma_start3A_213 = tpu.memref_slice %arg7[%dma_start3A_202] : memref<4x!tpu.dma_semaphore, #tpu.memory_space<semaphore_mem>> -> memref<1x!tpu.dma_semaphore, #tpu.memory_space<semaphore_mem>>
      %dma_start3A_214 = tpu.memref_squeeze %dma_start3A_213 : memref<1x!tpu.dma_semaphore, #tpu.memory_space<semaphore_mem>> -> memref<!tpu.dma_semaphore, #tpu.memory_space<semaphore_mem>>
      tpu.enqueue_indirect_dma source(%dma_start3A_212 : memref<1000000x64xf32, #tpu.memory_space<hbm>>) target(%dma_start3A_206 : memref<128x64xf32, #tpu.memory_space<vmem>>) offsets(%dma_start3A_209 : memref<128xi32, #tpu.memory_space<vmem>>) semaphore(%dma_start3A_214 : memref<!tpu.dma_semaphore, #tpu.memory_space<semaphore_mem>>)
      %add3A_215 = arith.constant 2 : i32
      %add3A_216 = arith.addi %add3A_142, %add3A_215 : i32
      %dma_wait3A_217 = arith.constant 2 : i32
      %dma_wait3A_218 = arith.constant 2 : i32
      %dma_wait3A_219 = arith.constant 0 : i32
      %dma_wait3A_220 = arith.constant 0 : i32
      %dma_wait3A_221 = tpu.memref_slice %arg6[%dma_wait3A_217, %dma_wait3A_219, %dma_wait3A_220] : memref<4x128x64xf32, #tpu.memory_space<vmem>> -> memref<1x128x64xf32, #tpu.memory_space<vmem>>
      %dma_wait3A_222 = tpu.memref_squeeze %dma_wait3A_221 : memref<1x128x64xf32, #tpu.memory_space<vmem>> -> memref<128x64xf32, #tpu.memory_space<vmem>>
      %dma_wait3A_223 = arith.constant 0 : i32
      %dma_wait3A_224 = tpu.memref_slice %arg5[%add3A_216, %dma_wait3A_223] : memref<200x128xi32, #tpu.memory_space<vmem>> -> memref<1x128xi32, #tpu.memory_space<vmem>>
      %dma_wait3A_225 = tpu.memref_squeeze %dma_wait3A_224 : memref<1x128xi32, #tpu.memory_space<vmem>> -> memref<128xi32, #tpu.memory_space<vmem>>
      %dma_wait3A_226 = arith.constant 0 : i32
      %dma_wait3A_227 = arith.constant 0 : i32
      %dma_wait3A_228 = tpu.memref_slice %arg3[%dma_wait3A_226, %dma_wait3A_227] : memref<1000000x64xf32, #tpu.memory_space<hbm>> -> memref<1000000x64xf32, #tpu.memory_space<hbm>>
      %dma_wait3A_229 = tpu.memref_slice %arg7[%dma_wait3A_218] : memref<4x!tpu.dma_semaphore, #tpu.memory_space<semaphore_mem>> -> memref<1x!tpu.dma_semaphore, #tpu.memory_space<semaphore_mem>>
      %dma_wait3A_230 = tpu.memref_squeeze %dma_wait3A_229 : memref<1x!tpu.dma_semaphore, #tpu.memory_space<semaphore_mem>> -> memref<!tpu.dma_semaphore, #tpu.memory_space<semaphore_mem>>
      tpu.wait_indirect_dma semaphore(%dma_wait3A_230 : memref<!tpu.dma_semaphore, #tpu.memory_space<semaphore_mem>>) src(%dma_wait3A_228 : memref<1000000x64xf32, #tpu.memory_space<hbm>>) dst(%dma_wait3A_222 : memref<128x64xf32, #tpu.memory_space<vmem>>)
      %mul3A_231 = arith.constant 128 : i32
      %mul3A_232 = arith.muli %add3A_216, %mul3A_231 : i32
      %add3A_233 = arith.addi %mul3A_4, %mul3A_232 : i32
      %run_scoped3A_234 = arith.constant 2 : i32
      "tpu.region"() ({
        %run_scoped3A_287 = tpu.sem_alloc : memref<!tpu.dma_semaphore, #tpu.memory_space<semaphore_mem>>
        %dma_start3A_288 = arith.constant 0 : i32
        %dma_start3A_289 = arith.constant 0 : i32
        %dma_start3A_290 = tpu.memref_slice %arg6[%run_scoped3A_234, %dma_start3A_288, %dma_start3A_289] : memref<4x128x64xf32, #tpu.memory_space<vmem>> -> memref<1x128x64xf32, #tpu.memory_space<vmem>>
        %dma_start3A_291 = tpu.memref_squeeze %dma_start3A_290 : memref<1x128x64xf32, #tpu.memory_space<vmem>> -> memref<128x64xf32, #tpu.memory_space<vmem>>
        %dma_start3A_292 = arith.constant 0 : i32
        %dma_start3A_293 = tpu.memref_slice %arg4[%add3A_233, %dma_start3A_292] : memref<819200x64xf32, #tpu.memory_space<hbm>> -> memref<128x64xf32, #tpu.memory_space<hbm>>
        %dma_start3A_294 = arith.constant 0 : i32
        %dma_start3A_295 = tpu.memref_slice %arg4[%add3A_233, %dma_start3A_294] : memref<819200x64xf32, #tpu.memory_space<hbm>> -> memref<128x64xf32, #tpu.memory_space<hbm>>
        %dma_start3A_296 = arith.constant 0 : i32
        %dma_start3A_297 = arith.constant 0 : i32
        %dma_start3A_298 = tpu.memref_slice %arg6[%run_scoped3A_234, %dma_start3A_296, %dma_start3A_297] : memref<4x128x64xf32, #tpu.memory_space<vmem>> -> memref<1x128x64xf32, #tpu.memory_space<vmem>>
        %dma_start3A_299 = tpu.memref_squeeze %dma_start3A_298 : memref<1x128x64xf32, #tpu.memory_space<vmem>> -> memref<128x64xf32, #tpu.memory_space<vmem>>
        tpu.enqueue_dma source(%dma_start3A_299 : memref<128x64xf32, #tpu.memory_space<vmem>>) target(%dma_start3A_295 : memref<128x64xf32, #tpu.memory_space<hbm>>) target_semaphore(%run_scoped3A_287 : memref<!tpu.dma_semaphore, #tpu.memory_space<semaphore_mem>>)
        %dma_wait3A_300 = arith.constant 0 : i32
        %dma_wait3A_301 = arith.constant 0 : i32
        %dma_wait3A_302 = tpu.memref_slice %arg6[%run_scoped3A_234, %dma_wait3A_300, %dma_wait3A_301] : memref<4x128x64xf32, #tpu.memory_space<vmem>> -> memref<1x128x64xf32, #tpu.memory_space<vmem>>
        %dma_wait3A_303 = tpu.memref_squeeze %dma_wait3A_302 : memref<1x128x64xf32, #tpu.memory_space<vmem>> -> memref<128x64xf32, #tpu.memory_space<vmem>>
        %dma_wait3A_304 = arith.constant 0 : i32
        %dma_wait3A_305 = tpu.memref_slice %arg4[%add3A_233, %dma_wait3A_304] : memref<819200x64xf32, #tpu.memory_space<hbm>> -> memref<128x64xf32, #tpu.memory_space<hbm>>
        %dma_wait3A_306 = arith.constant 0 : i32
        %dma_wait3A_307 = tpu.memref_slice %arg4[%add3A_233, %dma_wait3A_306] : memref<819200x64xf32, #tpu.memory_space<hbm>> -> memref<128x64xf32, #tpu.memory_space<hbm>>
        %dma_wait3A_308 = arith.constant 0 : i32
        %dma_wait3A_309 = arith.constant 0 : i32
        %dma_wait3A_310 = tpu.memref_slice %arg6[%run_scoped3A_234, %dma_wait3A_308, %dma_wait3A_309] : memref<4x128x64xf32, #tpu.memory_space<vmem>> -> memref<1x128x64xf32, #tpu.memory_space<vmem>>
        %dma_wait3A_311 = tpu.memref_squeeze %dma_wait3A_310 : memref<1x128x64xf32, #tpu.memory_space<vmem>> -> memref<128x64xf32, #tpu.memory_space<vmem>>
        tpu.wait_dma2 semaphore(%run_scoped3A_287 : memref<!tpu.dma_semaphore, #tpu.memory_space<semaphore_mem>>) src(%dma_wait3A_311 : memref<128x64xf32, #tpu.memory_space<vmem>>) dst(%dma_wait3A_307 : memref<128x64xf32, #tpu.memory_space<hbm>>)
        tpu.yield
      }) : () -> ()
      %add3A_235 = arith.constant 4 : i32
      %add3A_236 = arith.addi %add3A_216, %add3A_235 : i32
      %dma_start3A_237 = arith.constant 2 : i32
      %dma_start3A_238 = arith.constant 2 : i32
      %dma_start3A_239 = arith.constant 0 : i32
      %dma_start3A_240 = arith.constant 0 : i32
      %dma_start3A_241 = tpu.memref_slice %arg6[%dma_start3A_237, %dma_start3A_239, %dma_start3A_240] : memref<4x128x64xf32, #tpu.memory_space<vmem>> -> memref<1x128x64xf32, #tpu.memory_space<vmem>>
      %dma_start3A_242 = tpu.memref_squeeze %dma_start3A_241 : memref<1x128x64xf32, #tpu.memory_space<vmem>> -> memref<128x64xf32, #tpu.memory_space<vmem>>
      %dma_start3A_243 = arith.constant 0 : i32
      %dma_start3A_244 = tpu.memref_slice %arg5[%add3A_236, %dma_start3A_243] : memref<200x128xi32, #tpu.memory_space<vmem>> -> memref<1x128xi32, #tpu.memory_space<vmem>>
      %dma_start3A_245 = tpu.memref_squeeze %dma_start3A_244 : memref<1x128xi32, #tpu.memory_space<vmem>> -> memref<128xi32, #tpu.memory_space<vmem>>
      %dma_start3A_246 = arith.constant 0 : i32
      %dma_start3A_247 = arith.constant 0 : i32
      %dma_start3A_248 = tpu.memref_slice %arg3[%dma_start3A_246, %dma_start3A_247] : memref<1000000x64xf32, #tpu.memory_space<hbm>> -> memref<1000000x64xf32, #tpu.memory_space<hbm>>
      %dma_start3A_249 = tpu.memref_slice %arg7[%dma_start3A_238] : memref<4x!tpu.dma_semaphore, #tpu.memory_space<semaphore_mem>> -> memref<1x!tpu.dma_semaphore, #tpu.memory_space<semaphore_mem>>
      %dma_start3A_250 = tpu.memref_squeeze %dma_start3A_249 : memref<1x!tpu.dma_semaphore, #tpu.memory_space<semaphore_mem>> -> memref<!tpu.dma_semaphore, #tpu.memory_space<semaphore_mem>>
      tpu.enqueue_indirect_dma source(%dma_start3A_248 : memref<1000000x64xf32, #tpu.memory_space<hbm>>) target(%dma_start3A_242 : memref<128x64xf32, #tpu.memory_space<vmem>>) offsets(%dma_start3A_245 : memref<128xi32, #tpu.memory_space<vmem>>) semaphore(%dma_start3A_250 : memref<!tpu.dma_semaphore, #tpu.memory_space<semaphore_mem>>)
      %add3A_251 = arith.constant 3 : i32
      %add3A_252 = arith.addi %add3A_142, %add3A_251 : i32
      %dma_wait3A_253 = arith.constant 3 : i32
      %dma_wait3A_254 = arith.constant 3 : i32
      %dma_wait3A_255 = arith.constant 0 : i32
      %dma_wait3A_256 = arith.constant 0 : i32
      %dma_wait3A_257 = tpu.memref_slice %arg6[%dma_wait3A_253, %dma_wait3A_255, %dma_wait3A_256] : memref<4x128x64xf32, #tpu.memory_space<vmem>> -> memref<1x128x64xf32, #tpu.memory_space<vmem>>
      %dma_wait3A_258 = tpu.memref_squeeze %dma_wait3A_257 : memref<1x128x64xf32, #tpu.memory_space<vmem>> -> memref<128x64xf32, #tpu.memory_space<vmem>>
      %dma_wait3A_259 = arith.constant 0 : i32
      %dma_wait3A_260 = tpu.memref_slice %arg5[%add3A_252, %dma_wait3A_259] : memref<200x128xi32, #tpu.memory_space<vmem>> -> memref<1x128xi32, #tpu.memory_space<vmem>>
      %dma_wait3A_261 = tpu.memref_squeeze %dma_wait3A_260 : memref<1x128xi32, #tpu.memory_space<vmem>> -> memref<128xi32, #tpu.memory_space<vmem>>
      %dma_wait3A_262 = arith.constant 0 : i32
      %dma_wait3A_263 = arith.constant 0 : i32
      %dma_wait3A_264 = tpu.memref_slice %arg3[%dma_wait3A_262, %dma_wait3A_263] : memref<1000000x64xf32, #tpu.memory_space<hbm>> -> memref<1000000x64xf32, #tpu.memory_space<hbm>>
      %dma_wait3A_265 = tpu.memref_slice %arg7[%dma_wait3A_254] : memref<4x!tpu.dma_semaphore, #tpu.memory_space<semaphore_mem>> -> memref<1x!tpu.dma_semaphore, #tpu.memory_space<semaphore_mem>>
      %dma_wait3A_266 = tpu.memref_squeeze %dma_wait3A_265 : memref<1x!tpu.dma_semaphore, #tpu.memory_space<semaphore_mem>> -> memref<!tpu.dma_semaphore, #tpu.memory_space<semaphore_mem>>
      tpu.wait_indirect_dma semaphore(%dma_wait3A_266 : memref<!tpu.dma_semaphore, #tpu.memory_space<semaphore_mem>>) src(%dma_wait3A_264 : memref<1000000x64xf32, #tpu.memory_space<hbm>>) dst(%dma_wait3A_258 : memref<128x64xf32, #tpu.memory_space<vmem>>)
      %mul3A_267 = arith.constant 128 : i32
      %mul3A_268 = arith.muli %add3A_252, %mul3A_267 : i32
      %add3A_269 = arith.addi %mul3A_4, %mul3A_268 : i32
      %run_scoped3A_270 = arith.constant 3 : i32
      "tpu.region"() ({
        %run_scoped3A_287 = tpu.sem_alloc : memref<!tpu.dma_semaphore, #tpu.memory_space<semaphore_mem>>
        %dma_start3A_288 = arith.constant 0 : i32
        %dma_start3A_289 = arith.constant 0 : i32
        %dma_start3A_290 = tpu.memref_slice %arg6[%run_scoped3A_270, %dma_start3A_288, %dma_start3A_289] : memref<4x128x64xf32, #tpu.memory_space<vmem>> -> memref<1x128x64xf32, #tpu.memory_space<vmem>>
        %dma_start3A_291 = tpu.memref_squeeze %dma_start3A_290 : memref<1x128x64xf32, #tpu.memory_space<vmem>> -> memref<128x64xf32, #tpu.memory_space<vmem>>
        %dma_start3A_292 = arith.constant 0 : i32
        %dma_start3A_293 = tpu.memref_slice %arg4[%add3A_269, %dma_start3A_292] : memref<819200x64xf32, #tpu.memory_space<hbm>> -> memref<128x64xf32, #tpu.memory_space<hbm>>
        %dma_start3A_294 = arith.constant 0 : i32
        %dma_start3A_295 = tpu.memref_slice %arg4[%add3A_269, %dma_start3A_294] : memref<819200x64xf32, #tpu.memory_space<hbm>> -> memref<128x64xf32, #tpu.memory_space<hbm>>
        %dma_start3A_296 = arith.constant 0 : i32
        %dma_start3A_297 = arith.constant 0 : i32
        %dma_start3A_298 = tpu.memref_slice %arg6[%run_scoped3A_270, %dma_start3A_296, %dma_start3A_297] : memref<4x128x64xf32, #tpu.memory_space<vmem>> -> memref<1x128x64xf32, #tpu.memory_space<vmem>>
        %dma_start3A_299 = tpu.memref_squeeze %dma_start3A_298 : memref<1x128x64xf32, #tpu.memory_space<vmem>> -> memref<128x64xf32, #tpu.memory_space<vmem>>
        tpu.enqueue_dma source(%dma_start3A_299 : memref<128x64xf32, #tpu.memory_space<vmem>>) target(%dma_start3A_295 : memref<128x64xf32, #tpu.memory_space<hbm>>) target_semaphore(%run_scoped3A_287 : memref<!tpu.dma_semaphore, #tpu.memory_space<semaphore_mem>>)
        %dma_wait3A_300 = arith.constant 0 : i32
        %dma_wait3A_301 = arith.constant 0 : i32
        %dma_wait3A_302 = tpu.memref_slice %arg6[%run_scoped3A_270, %dma_wait3A_300, %dma_wait3A_301] : memref<4x128x64xf32, #tpu.memory_space<vmem>> -> memref<1x128x64xf32, #tpu.memory_space<vmem>>
        %dma_wait3A_303 = tpu.memref_squeeze %dma_wait3A_302 : memref<1x128x64xf32, #tpu.memory_space<vmem>> -> memref<128x64xf32, #tpu.memory_space<vmem>>
        %dma_wait3A_304 = arith.constant 0 : i32
        %dma_wait3A_305 = tpu.memref_slice %arg4[%add3A_269, %dma_wait3A_304] : memref<819200x64xf32, #tpu.memory_space<hbm>> -> memref<128x64xf32, #tpu.memory_space<hbm>>
        %dma_wait3A_306 = arith.constant 0 : i32
        %dma_wait3A_307 = tpu.memref_slice %arg4[%add3A_269, %dma_wait3A_306] : memref<819200x64xf32, #tpu.memory_space<hbm>> -> memref<128x64xf32, #tpu.memory_space<hbm>>
        %dma_wait3A_308 = arith.constant 0 : i32
        %dma_wait3A_309 = arith.constant 0 : i32
        %dma_wait3A_310 = tpu.memref_slice %arg6[%run_scoped3A_270, %dma_wait3A_308, %dma_wait3A_309] : memref<4x128x64xf32, #tpu.memory_space<vmem>> -> memref<1x128x64xf32, #tpu.memory_space<vmem>>
        %dma_wait3A_311 = tpu.memref_squeeze %dma_wait3A_310 : memref<1x128x64xf32, #tpu.memory_space<vmem>> -> memref<128x64xf32, #tpu.memory_space<vmem>>
        tpu.wait_dma2 semaphore(%run_scoped3A_287 : memref<!tpu.dma_semaphore, #tpu.memory_space<semaphore_mem>>) src(%dma_wait3A_311 : memref<128x64xf32, #tpu.memory_space<vmem>>) dst(%dma_wait3A_307 : memref<128x64xf32, #tpu.memory_space<hbm>>)
        tpu.yield
      }) : () -> ()
      %add3A_271 = arith.constant 4 : i32
      %add3A_272 = arith.addi %add3A_252, %add3A_271 : i32
      %dma_start3A_273 = arith.constant 3 : i32
      %dma_start3A_274 = arith.constant 3 : i32
      %dma_start3A_275 = arith.constant 0 : i32
      %dma_start3A_276 = arith.constant 0 : i32
      %dma_start3A_277 = tpu.memref_slice %arg6[%dma_start3A_273, %dma_start3A_275, %dma_start3A_276] : memref<4x128x64xf32, #tpu.memory_space<vmem>> -> memref<1x128x64xf32, #tpu.memory_space<vmem>>
      %dma_start3A_278 = tpu.memref_squeeze %dma_start3A_277 : memref<1x128x64xf32, #tpu.memory_space<vmem>> -> memref<128x64xf32, #tpu.memory_space<vmem>>
      %dma_start3A_279 = arith.constant 0 : i32
      %dma_start3A_280 = tpu.memref_slice %arg5[%add3A_272, %dma_start3A_279] : memref<200x128xi32, #tpu.memory_space<vmem>> -> memref<1x128xi32, #tpu.memory_space<vmem>>
      %dma_start3A_281 = tpu.memref_squeeze %dma_start3A_280 : memref<1x128xi32, #tpu.memory_space<vmem>> -> memref<128xi32, #tpu.memory_space<vmem>>
      %dma_start3A_282 = arith.constant 0 : i32
      %dma_start3A_283 = arith.constant 0 : i32
      %dma_start3A_284 = tpu.memref_slice %arg3[%dma_start3A_282, %dma_start3A_283] : memref<1000000x64xf32, #tpu.memory_space<hbm>> -> memref<1000000x64xf32, #tpu.memory_space<hbm>>
      %dma_start3A_285 = tpu.memref_slice %arg7[%dma_start3A_274] : memref<4x!tpu.dma_semaphore, #tpu.memory_space<semaphore_mem>> -> memref<1x!tpu.dma_semaphore, #tpu.memory_space<semaphore_mem>>
      %dma_start3A_286 = tpu.memref_squeeze %dma_start3A_285 : memref<1x!tpu.dma_semaphore, #tpu.memory_space<semaphore_mem>> -> memref<!tpu.dma_semaphore, #tpu.memory_space<semaphore_mem>>
      tpu.enqueue_indirect_dma source(%dma_start3A_284 : memref<1000000x64xf32, #tpu.memory_space<hbm>>) target(%dma_start3A_278 : memref<128x64xf32, #tpu.memory_space<vmem>>) offsets(%dma_start3A_281 : memref<128xi32, #tpu.memory_space<vmem>>) semaphore(%dma_start3A_286 : memref<!tpu.dma_semaphore, #tpu.memory_space<semaphore_mem>>)
    }
    %scan3A_67 = arith.constant 49 : i32
    %dma_wait3A = arith.constant 196 : i32
    %dma_wait3A_68 = arith.constant 0 : i32
    %dma_wait3A_69 = arith.constant 0 : i32
    %dma_wait3A_70 = arith.constant 0 : i32
    %dma_wait3A_71 = arith.constant 0 : i32
    %dma_wait3A_72 = tpu.memref_slice %arg6[%dma_wait3A_68, %dma_wait3A_70, %dma_wait3A_71] : memref<4x128x64xf32, #tpu.memory_space<vmem>> -> memref<1x128x64xf32, #tpu.memory_space<vmem>>
    %dma_wait3A_73 = tpu.memref_squeeze %dma_wait3A_72 : memref<1x128x64xf32, #tpu.memory_space<vmem>> -> memref<128x64xf32, #tpu.memory_space<vmem>>
    %dma_wait3A_74 = arith.constant 0 : i32
    %dma_wait3A_75 = tpu.memref_slice %arg5[%dma_wait3A, %dma_wait3A_74] : memref<200x128xi32, #tpu.memory_space<vmem>> -> memref<1x128xi32, #tpu.memory_space<vmem>>
    %dma_wait3A_76 = tpu.memref_squeeze %dma_wait3A_75 : memref<1x128xi32, #tpu.memory_space<vmem>> -> memref<128xi32, #tpu.memory_space<vmem>>
    %dma_wait3A_77 = arith.constant 0 : i32
    %dma_wait3A_78 = arith.constant 0 : i32
    %dma_wait3A_79 = tpu.memref_slice %arg3[%dma_wait3A_77, %dma_wait3A_78] : memref<1000000x64xf32, #tpu.memory_space<hbm>> -> memref<1000000x64xf32, #tpu.memory_space<hbm>>
    %dma_wait3A_80 = tpu.memref_slice %arg7[%dma_wait3A_69] : memref<4x!tpu.dma_semaphore, #tpu.memory_space<semaphore_mem>> -> memref<1x!tpu.dma_semaphore, #tpu.memory_space<semaphore_mem>>
    %dma_wait3A_81 = tpu.memref_squeeze %dma_wait3A_80 : memref<1x!tpu.dma_semaphore, #tpu.memory_space<semaphore_mem>> -> memref<!tpu.dma_semaphore, #tpu.memory_space<semaphore_mem>>
    tpu.wait_indirect_dma semaphore(%dma_wait3A_81 : memref<!tpu.dma_semaphore, #tpu.memory_space<semaphore_mem>>) src(%dma_wait3A_79 : memref<1000000x64xf32, #tpu.memory_space<hbm>>) dst(%dma_wait3A_73 : memref<128x64xf32, #tpu.memory_space<vmem>>)
    %add3A_82 = arith.constant 25088 : i32
    %add3A_83 = arith.addi %mul3A_4, %add3A_82 : i32
    %run_scoped3A = arith.constant 0 : i32
    "tpu.region"() ({
      %run_scoped3A_138 = tpu.sem_alloc : memref<!tpu.dma_semaphore, #tpu.memory_space<semaphore_mem>>
      %dma_start3A_139 = arith.constant 0 : i32
      %dma_start3A_140 = arith.constant 0 : i32
      %dma_start3A_141 = tpu.memref_slice %arg6[%run_scoped3A, %dma_start3A_139, %dma_start3A_140] : memref<4x128x64xf32, #tpu.memory_space<vmem>> -> memref<1x128x64xf32, #tpu.memory_space<vmem>>
      %dma_start3A_142 = tpu.memref_squeeze %dma_start3A_141 : memref<1x128x64xf32, #tpu.memory_space<vmem>> -> memref<128x64xf32, #tpu.memory_space<vmem>>
      %dma_start3A_143 = arith.constant 0 : i32
      %dma_start3A_144 = tpu.memref_slice %arg4[%add3A_83, %dma_start3A_143] : memref<819200x64xf32, #tpu.memory_space<hbm>> -> memref<128x64xf32, #tpu.memory_space<hbm>>
      %dma_start3A_145 = arith.constant 0 : i32
      %dma_start3A_146 = tpu.memref_slice %arg4[%add3A_83, %dma_start3A_145] : memref<819200x64xf32, #tpu.memory_space<hbm>> -> memref<128x64xf32, #tpu.memory_space<hbm>>
      %dma_start3A_147 = arith.constant 0 : i32
      %dma_start3A_148 = arith.constant 0 : i32
      %dma_start3A_149 = tpu.memref_slice %arg6[%run_scoped3A, %dma_start3A_147, %dma_start3A_148] : memref<4x128x64xf32, #tpu.memory_space<vmem>> -> memref<1x128x64xf32, #tpu.memory_space<vmem>>
      %dma_start3A_150 = tpu.memref_squeeze %dma_start3A_149 : memref<1x128x64xf32, #tpu.memory_space<vmem>> -> memref<128x64xf32, #tpu.memory_space<vmem>>
      tpu.enqueue_dma source(%dma_start3A_150 : memref<128x64xf32, #tpu.memory_space<vmem>>) target(%dma_start3A_146 : memref<128x64xf32, #tpu.memory_space<hbm>>) target_semaphore(%run_scoped3A_138 : memref<!tpu.dma_semaphore, #tpu.memory_space<semaphore_mem>>)
      %dma_wait3A_151 = arith.constant 0 : i32
      %dma_wait3A_152 = arith.constant 0 : i32
      %dma_wait3A_153 = tpu.memref_slice %arg6[%run_scoped3A, %dma_wait3A_151, %dma_wait3A_152] : memref<4x128x64xf32, #tpu.memory_space<vmem>> -> memref<1x128x64xf32, #tpu.memory_space<vmem>>
      %dma_wait3A_154 = tpu.memref_squeeze %dma_wait3A_153 : memref<1x128x64xf32, #tpu.memory_space<vmem>> -> memref<128x64xf32, #tpu.memory_space<vmem>>
      %dma_wait3A_155 = arith.constant 0 : i32
      %dma_wait3A_156 = tpu.memref_slice %arg4[%add3A_83, %dma_wait3A_155] : memref<819200x64xf32, #tpu.memory_space<hbm>> -> memref<128x64xf32, #tpu.memory_space<hbm>>
      %dma_wait3A_157 = arith.constant 0 : i32
      %dma_wait3A_158 = tpu.memref_slice %arg4[%add3A_83, %dma_wait3A_157] : memref<819200x64xf32, #tpu.memory_space<hbm>> -> memref<128x64xf32, #tpu.memory_space<hbm>>
      %dma_wait3A_159 = arith.constant 0 : i32
      %dma_wait3A_160 = arith.constant 0 : i32
      %dma_wait3A_161 = tpu.memref_slice %arg6[%run_scoped3A, %dma_wait3A_159, %dma_wait3A_160] : memref<4x128x64xf32, #tpu.memory_space<vmem>> -> memref<1x128x64xf32, #tpu.memory_space<vmem>>
      %dma_wait3A_162 = tpu.memref_squeeze %dma_wait3A_161 : memref<1x128x64xf32, #tpu.memory_space<vmem>> -> memref<128x64xf32, #tpu.memory_space<vmem>>
      tpu.wait_dma2 semaphore(%run_scoped3A_138 : memref<!tpu.dma_semaphore, #tpu.memory_space<semaphore_mem>>) src(%dma_wait3A_162 : memref<128x64xf32, #tpu.memory_space<vmem>>) dst(%dma_wait3A_158 : memref<128x64xf32, #tpu.memory_space<hbm>>)
      tpu.yield
    }) : () -> ()
    %dma_wait3A_84 = arith.constant 197 : i32
    %dma_wait3A_85 = arith.constant 1 : i32
    %dma_wait3A_86 = arith.constant 1 : i32
    %dma_wait3A_87 = arith.constant 0 : i32
    %dma_wait3A_88 = arith.constant 0 : i32
    %dma_wait3A_89 = tpu.memref_slice %arg6[%dma_wait3A_85, %dma_wait3A_87, %dma_wait3A_88] : memref<4x128x64xf32, #tpu.memory_space<vmem>> -> memref<1x128x64xf32, #tpu.memory_space<vmem>>
    %dma_wait3A_90 = tpu.memref_squeeze %dma_wait3A_89 : memref<1x128x64xf32, #tpu.memory_space<vmem>> -> memref<128x64xf32, #tpu.memory_space<vmem>>
    %dma_wait3A_91 = arith.constant 0 : i32
    %dma_wait3A_92 = tpu.memref_slice %arg5[%dma_wait3A_84, %dma_wait3A_91] : memref<200x128xi32, #tpu.memory_space<vmem>> -> memref<1x128xi32, #tpu.memory_space<vmem>>
    %dma_wait3A_93 = tpu.memref_squeeze %dma_wait3A_92 : memref<1x128xi32, #tpu.memory_space<vmem>> -> memref<128xi32, #tpu.memory_space<vmem>>
    %dma_wait3A_94 = arith.constant 0 : i32
    %dma_wait3A_95 = arith.constant 0 : i32
    %dma_wait3A_96 = tpu.memref_slice %arg3[%dma_wait3A_94, %dma_wait3A_95] : memref<1000000x64xf32, #tpu.memory_space<hbm>> -> memref<1000000x64xf32, #tpu.memory_space<hbm>>
    %dma_wait3A_97 = tpu.memref_slice %arg7[%dma_wait3A_86] : memref<4x!tpu.dma_semaphore, #tpu.memory_space<semaphore_mem>> -> memref<1x!tpu.dma_semaphore, #tpu.memory_space<semaphore_mem>>
    %dma_wait3A_98 = tpu.memref_squeeze %dma_wait3A_97 : memref<1x!tpu.dma_semaphore, #tpu.memory_space<semaphore_mem>> -> memref<!tpu.dma_semaphore, #tpu.memory_space<semaphore_mem>>
    tpu.wait_indirect_dma semaphore(%dma_wait3A_98 : memref<!tpu.dma_semaphore, #tpu.memory_space<semaphore_mem>>) src(%dma_wait3A_96 : memref<1000000x64xf32, #tpu.memory_space<hbm>>) dst(%dma_wait3A_90 : memref<128x64xf32, #tpu.memory_space<vmem>>)
    %add3A_99 = arith.constant 25216 : i32
    %add3A_100 = arith.addi %mul3A_4, %add3A_99 : i32
    %run_scoped3A_101 = arith.constant 1 : i32
    "tpu.region"() ({
      %run_scoped3A_138 = tpu.sem_alloc : memref<!tpu.dma_semaphore, #tpu.memory_space<semaphore_mem>>
      %dma_start3A_139 = arith.constant 0 : i32
      %dma_start3A_140 = arith.constant 0 : i32
      %dma_start3A_141 = tpu.memref_slice %arg6[%run_scoped3A_101, %dma_start3A_139, %dma_start3A_140] : memref<4x128x64xf32, #tpu.memory_space<vmem>> -> memref<1x128x64xf32, #tpu.memory_space<vmem>>
      %dma_start3A_142 = tpu.memref_squeeze %dma_start3A_141 : memref<1x128x64xf32, #tpu.memory_space<vmem>> -> memref<128x64xf32, #tpu.memory_space<vmem>>
      %dma_start3A_143 = arith.constant 0 : i32
      %dma_start3A_144 = tpu.memref_slice %arg4[%add3A_100, %dma_start3A_143] : memref<819200x64xf32, #tpu.memory_space<hbm>> -> memref<128x64xf32, #tpu.memory_space<hbm>>
      %dma_start3A_145 = arith.constant 0 : i32
      %dma_start3A_146 = tpu.memref_slice %arg4[%add3A_100, %dma_start3A_145] : memref<819200x64xf32, #tpu.memory_space<hbm>> -> memref<128x64xf32, #tpu.memory_space<hbm>>
      %dma_start3A_147 = arith.constant 0 : i32
      %dma_start3A_148 = arith.constant 0 : i32
      %dma_start3A_149 = tpu.memref_slice %arg6[%run_scoped3A_101, %dma_start3A_147, %dma_start3A_148] : memref<4x128x64xf32, #tpu.memory_space<vmem>> -> memref<1x128x64xf32, #tpu.memory_space<vmem>>
      %dma_start3A_150 = tpu.memref_squeeze %dma_start3A_149 : memref<1x128x64xf32, #tpu.memory_space<vmem>> -> memref<128x64xf32, #tpu.memory_space<vmem>>
      tpu.enqueue_dma source(%dma_start3A_150 : memref<128x64xf32, #tpu.memory_space<vmem>>) target(%dma_start3A_146 : memref<128x64xf32, #tpu.memory_space<hbm>>) target_semaphore(%run_scoped3A_138 : memref<!tpu.dma_semaphore, #tpu.memory_space<semaphore_mem>>)
      %dma_wait3A_151 = arith.constant 0 : i32
      %dma_wait3A_152 = arith.constant 0 : i32
      %dma_wait3A_153 = tpu.memref_slice %arg6[%run_scoped3A_101, %dma_wait3A_151, %dma_wait3A_152] : memref<4x128x64xf32, #tpu.memory_space<vmem>> -> memref<1x128x64xf32, #tpu.memory_space<vmem>>
      %dma_wait3A_154 = tpu.memref_squeeze %dma_wait3A_153 : memref<1x128x64xf32, #tpu.memory_space<vmem>> -> memref<128x64xf32, #tpu.memory_space<vmem>>
      %dma_wait3A_155 = arith.constant 0 : i32
      %dma_wait3A_156 = tpu.memref_slice %arg4[%add3A_100, %dma_wait3A_155] : memref<819200x64xf32, #tpu.memory_space<hbm>> -> memref<128x64xf32, #tpu.memory_space<hbm>>
      %dma_wait3A_157 = arith.constant 0 : i32
      %dma_wait3A_158 = tpu.memref_slice %arg4[%add3A_100, %dma_wait3A_157] : memref<819200x64xf32, #tpu.memory_space<hbm>> -> memref<128x64xf32, #tpu.memory_space<hbm>>
      %dma_wait3A_159 = arith.constant 0 : i32
      %dma_wait3A_160 = arith.constant 0 : i32
      %dma_wait3A_161 = tpu.memref_slice %arg6[%run_scoped3A_101, %dma_wait3A_159, %dma_wait3A_160] : memref<4x128x64xf32, #tpu.memory_space<vmem>> -> memref<1x128x64xf32, #tpu.memory_space<vmem>>
      %dma_wait3A_162 = tpu.memref_squeeze %dma_wait3A_161 : memref<1x128x64xf32, #tpu.memory_space<vmem>> -> memref<128x64xf32, #tpu.memory_space<vmem>>
      tpu.wait_dma2 semaphore(%run_scoped3A_138 : memref<!tpu.dma_semaphore, #tpu.memory_space<semaphore_mem>>) src(%dma_wait3A_162 : memref<128x64xf32, #tpu.memory_space<vmem>>) dst(%dma_wait3A_158 : memref<128x64xf32, #tpu.memory_space<hbm>>)
      tpu.yield
    }) : () -> ()
    %dma_wait3A_102 = arith.constant 198 : i32
    %dma_wait3A_103 = arith.constant 2 : i32
    %dma_wait3A_104 = arith.constant 2 : i32
    %dma_wait3A_105 = arith.constant 0 : i32
    %dma_wait3A_106 = arith.constant 0 : i32
    %dma_wait3A_107 = tpu.memref_slice %arg6[%dma_wait3A_103, %dma_wait3A_105, %dma_wait3A_106] : memref<4x128x64xf32, #tpu.memory_space<vmem>> -> memref<1x128x64xf32, #tpu.memory_space<vmem>>
    %dma_wait3A_108 = tpu.memref_squeeze %dma_wait3A_107 : memref<1x128x64xf32, #tpu.memory_space<vmem>> -> memref<128x64xf32, #tpu.memory_space<vmem>>
    %dma_wait3A_109 = arith.constant 0 : i32
    %dma_wait3A_110 = tpu.memref_slice %arg5[%dma_wait3A_102, %dma_wait3A_109] : memref<200x128xi32, #tpu.memory_space<vmem>> -> memref<1x128xi32, #tpu.memory_space<vmem>>
    %dma_wait3A_111 = tpu.memref_squeeze %dma_wait3A_110 : memref<1x128xi32, #tpu.memory_space<vmem>> -> memref<128xi32, #tpu.memory_space<vmem>>
    %dma_wait3A_112 = arith.constant 0 : i32
    %dma_wait3A_113 = arith.constant 0 : i32
    %dma_wait3A_114 = tpu.memref_slice %arg3[%dma_wait3A_112, %dma_wait3A_113] : memref<1000000x64xf32, #tpu.memory_space<hbm>> -> memref<1000000x64xf32, #tpu.memory_space<hbm>>
    %dma_wait3A_115 = tpu.memref_slice %arg7[%dma_wait3A_104] : memref<4x!tpu.dma_semaphore, #tpu.memory_space<semaphore_mem>> -> memref<1x!tpu.dma_semaphore, #tpu.memory_space<semaphore_mem>>
    %dma_wait3A_116 = tpu.memref_squeeze %dma_wait3A_115 : memref<1x!tpu.dma_semaphore, #tpu.memory_space<semaphore_mem>> -> memref<!tpu.dma_semaphore, #tpu.memory_space<semaphore_mem>>
    tpu.wait_indirect_dma semaphore(%dma_wait3A_116 : memref<!tpu.dma_semaphore, #tpu.memory_space<semaphore_mem>>) src(%dma_wait3A_114 : memref<1000000x64xf32, #tpu.memory_space<hbm>>) dst(%dma_wait3A_108 : memref<128x64xf32, #tpu.memory_space<vmem>>)
    %add3A_117 = arith.constant 25344 : i32
    %add3A_118 = arith.addi %mul3A_4, %add3A_117 : i32
    %run_scoped3A_119 = arith.constant 2 : i32
    "tpu.region"() ({
      %run_scoped3A_138 = tpu.sem_alloc : memref<!tpu.dma_semaphore, #tpu.memory_space<semaphore_mem>>
      %dma_start3A_139 = arith.constant 0 : i32
      %dma_start3A_140 = arith.constant 0 : i32
      %dma_start3A_141 = tpu.memref_slice %arg6[%run_scoped3A_119, %dma_start3A_139, %dma_start3A_140] : memref<4x128x64xf32, #tpu.memory_space<vmem>> -> memref<1x128x64xf32, #tpu.memory_space<vmem>>
      %dma_start3A_142 = tpu.memref_squeeze %dma_start3A_141 : memref<1x128x64xf32, #tpu.memory_space<vmem>> -> memref<128x64xf32, #tpu.memory_space<vmem>>
      %dma_start3A_143 = arith.constant 0 : i32
      %dma_start3A_144 = tpu.memref_slice %arg4[%add3A_118, %dma_start3A_143] : memref<819200x64xf32, #tpu.memory_space<hbm>> -> memref<128x64xf32, #tpu.memory_space<hbm>>
      %dma_start3A_145 = arith.constant 0 : i32
      %dma_start3A_146 = tpu.memref_slice %arg4[%add3A_118, %dma_start3A_145] : memref<819200x64xf32, #tpu.memory_space<hbm>> -> memref<128x64xf32, #tpu.memory_space<hbm>>
      %dma_start3A_147 = arith.constant 0 : i32
      %dma_start3A_148 = arith.constant 0 : i32
      %dma_start3A_149 = tpu.memref_slice %arg6[%run_scoped3A_119, %dma_start3A_147, %dma_start3A_148] : memref<4x128x64xf32, #tpu.memory_space<vmem>> -> memref<1x128x64xf32, #tpu.memory_space<vmem>>
      %dma_start3A_150 = tpu.memref_squeeze %dma_start3A_149 : memref<1x128x64xf32, #tpu.memory_space<vmem>> -> memref<128x64xf32, #tpu.memory_space<vmem>>
      tpu.enqueue_dma source(%dma_start3A_150 : memref<128x64xf32, #tpu.memory_space<vmem>>) target(%dma_start3A_146 : memref<128x64xf32, #tpu.memory_space<hbm>>) target_semaphore(%run_scoped3A_138 : memref<!tpu.dma_semaphore, #tpu.memory_space<semaphore_mem>>)
      %dma_wait3A_151 = arith.constant 0 : i32
      %dma_wait3A_152 = arith.constant 0 : i32
      %dma_wait3A_153 = tpu.memref_slice %arg6[%run_scoped3A_119, %dma_wait3A_151, %dma_wait3A_152] : memref<4x128x64xf32, #tpu.memory_space<vmem>> -> memref<1x128x64xf32, #tpu.memory_space<vmem>>
      %dma_wait3A_154 = tpu.memref_squeeze %dma_wait3A_153 : memref<1x128x64xf32, #tpu.memory_space<vmem>> -> memref<128x64xf32, #tpu.memory_space<vmem>>
      %dma_wait3A_155 = arith.constant 0 : i32
      %dma_wait3A_156 = tpu.memref_slice %arg4[%add3A_118, %dma_wait3A_155] : memref<819200x64xf32, #tpu.memory_space<hbm>> -> memref<128x64xf32, #tpu.memory_space<hbm>>
      %dma_wait3A_157 = arith.constant 0 : i32
      %dma_wait3A_158 = tpu.memref_slice %arg4[%add3A_118, %dma_wait3A_157] : memref<819200x64xf32, #tpu.memory_space<hbm>> -> memref<128x64xf32, #tpu.memory_space<hbm>>
      %dma_wait3A_159 = arith.constant 0 : i32
      %dma_wait3A_160 = arith.constant 0 : i32
      %dma_wait3A_161 = tpu.memref_slice %arg6[%run_scoped3A_119, %dma_wait3A_159, %dma_wait3A_160] : memref<4x128x64xf32, #tpu.memory_space<vmem>> -> memref<1x128x64xf32, #tpu.memory_space<vmem>>
      %dma_wait3A_162 = tpu.memref_squeeze %dma_wait3A_161 : memref<1x128x64xf32, #tpu.memory_space<vmem>> -> memref<128x64xf32, #tpu.memory_space<vmem>>
      tpu.wait_dma2 semaphore(%run_scoped3A_138 : memref<!tpu.dma_semaphore, #tpu.memory_space<semaphore_mem>>) src(%dma_wait3A_162 : memref<128x64xf32, #tpu.memory_space<vmem>>) dst(%dma_wait3A_158 : memref<128x64xf32, #tpu.memory_space<hbm>>)
      tpu.yield
    }) : () -> ()
    %dma_wait3A_120 = arith.constant 199 : i32
    %dma_wait3A_121 = arith.constant 3 : i32
    %dma_wait3A_122 = arith.constant 3 : i32
    %dma_wait3A_123 = arith.constant 0 : i32
    %dma_wait3A_124 = arith.constant 0 : i32
    %dma_wait3A_125 = tpu.memref_slice %arg6[%dma_wait3A_121, %dma_wait3A_123, %dma_wait3A_124] : memref<4x128x64xf32, #tpu.memory_space<vmem>> -> memref<1x128x64xf32, #tpu.memory_space<vmem>>
    %dma_wait3A_126 = tpu.memref_squeeze %dma_wait3A_125 : memref<1x128x64xf32, #tpu.memory_space<vmem>> -> memref<128x64xf32, #tpu.memory_space<vmem>>
    %dma_wait3A_127 = arith.constant 0 : i32
    %dma_wait3A_128 = tpu.memref_slice %arg5[%dma_wait3A_120, %dma_wait3A_127] : memref<200x128xi32, #tpu.memory_space<vmem>> -> memref<1x128xi32, #tpu.memory_space<vmem>>
    %dma_wait3A_129 = tpu.memref_squeeze %dma_wait3A_128 : memref<1x128xi32, #tpu.memory_space<vmem>> -> memref<128xi32, #tpu.memory_space<vmem>>
    %dma_wait3A_130 = arith.constant 0 : i32
    %dma_wait3A_131 = arith.constant 0 : i32
    %dma_wait3A_132 = tpu.memref_slice %arg3[%dma_wait3A_130, %dma_wait3A_131] : memref<1000000x64xf32, #tpu.memory_space<hbm>> -> memref<1000000x64xf32, #tpu.memory_space<hbm>>
    %dma_wait3A_133 = tpu.memref_slice %arg7[%dma_wait3A_122] : memref<4x!tpu.dma_semaphore, #tpu.memory_space<semaphore_mem>> -> memref<1x!tpu.dma_semaphore, #tpu.memory_space<semaphore_mem>>
    %dma_wait3A_134 = tpu.memref_squeeze %dma_wait3A_133 : memref<1x!tpu.dma_semaphore, #tpu.memory_space<semaphore_mem>> -> memref<!tpu.dma_semaphore, #tpu.memory_space<semaphore_mem>>
    tpu.wait_indirect_dma semaphore(%dma_wait3A_134 : memref<!tpu.dma_semaphore, #tpu.memory_space<semaphore_mem>>) src(%dma_wait3A_132 : memref<1000000x64xf32, #tpu.memory_space<hbm>>) dst(%dma_wait3A_126 : memref<128x64xf32, #tpu.memory_space<vmem>>)
    %add3A_135 = arith.constant 25472 : i32
    %add3A_136 = arith.addi %mul3A_4, %add3A_135 : i32
    %run_scoped3A_137 = arith.constant 3 : i32
    "tpu.region"() ({
      %run_scoped3A_138 = tpu.sem_alloc : memref<!tpu.dma_semaphore, #tpu.memory_space<semaphore_mem>>
      %dma_start3A_139 = arith.constant 0 : i32
      %dma_start3A_140 = arith.constant 0 : i32
      %dma_start3A_141 = tpu.memref_slice %arg6[%run_scoped3A_137, %dma_start3A_139, %dma_start3A_140] : memref<4x128x64xf32, #tpu.memory_space<vmem>> -> memref<1x128x64xf32, #tpu.memory_space<vmem>>
      %dma_start3A_142 = tpu.memref_squeeze %dma_start3A_141 : memref<1x128x64xf32, #tpu.memory_space<vmem>> -> memref<128x64xf32, #tpu.memory_space<vmem>>
      %dma_start3A_143 = arith.constant 0 : i32
      %dma_start3A_144 = tpu.memref_slice %arg4[%add3A_136, %dma_start3A_143] : memref<819200x64xf32, #tpu.memory_space<hbm>> -> memref<128x64xf32, #tpu.memory_space<hbm>>
      %dma_start3A_145 = arith.constant 0 : i32
      %dma_start3A_146 = tpu.memref_slice %arg4[%add3A_136, %dma_start3A_145] : memref<819200x64xf32, #tpu.memory_space<hbm>> -> memref<128x64xf32, #tpu.memory_space<hbm>>
      %dma_start3A_147 = arith.constant 0 : i32
      %dma_start3A_148 = arith.constant 0 : i32
      %dma_start3A_149 = tpu.memref_slice %arg6[%run_scoped3A_137, %dma_start3A_147, %dma_start3A_148] : memref<4x128x64xf32, #tpu.memory_space<vmem>> -> memref<1x128x64xf32, #tpu.memory_space<vmem>>
      %dma_start3A_150 = tpu.memref_squeeze %dma_start3A_149 : memref<1x128x64xf32, #tpu.memory_space<vmem>> -> memref<128x64xf32, #tpu.memory_space<vmem>>
      tpu.enqueue_dma source(%dma_start3A_150 : memref<128x64xf32, #tpu.memory_space<vmem>>) target(%dma_start3A_146 : memref<128x64xf32, #tpu.memory_space<hbm>>) target_semaphore(%run_scoped3A_138 : memref<!tpu.dma_semaphore, #tpu.memory_space<semaphore_mem>>)
      %dma_wait3A_151 = arith.constant 0 : i32
      %dma_wait3A_152 = arith.constant 0 : i32
      %dma_wait3A_153 = tpu.memref_slice %arg6[%run_scoped3A_137, %dma_wait3A_151, %dma_wait3A_152] : memref<4x128x64xf32, #tpu.memory_space<vmem>> -> memref<1x128x64xf32, #tpu.memory_space<vmem>>
      %dma_wait3A_154 = tpu.memref_squeeze %dma_wait3A_153 : memref<1x128x64xf32, #tpu.memory_space<vmem>> -> memref<128x64xf32, #tpu.memory_space<vmem>>
      %dma_wait3A_155 = arith.constant 0 : i32
      %dma_wait3A_156 = tpu.memref_slice %arg4[%add3A_136, %dma_wait3A_155] : memref<819200x64xf32, #tpu.memory_space<hbm>> -> memref<128x64xf32, #tpu.memory_space<hbm>>
      %dma_wait3A_157 = arith.constant 0 : i32
      %dma_wait3A_158 = tpu.memref_slice %arg4[%add3A_136, %dma_wait3A_157] : memref<819200x64xf32, #tpu.memory_space<hbm>> -> memref<128x64xf32, #tpu.memory_space<hbm>>
      %dma_wait3A_159 = arith.constant 0 : i32
      %dma_wait3A_160 = arith.constant 0 : i32
      %dma_wait3A_161 = tpu.memref_slice %arg6[%run_scoped3A_137, %dma_wait3A_159, %dma_wait3A_160] : memref<4x128x64xf32, #tpu.memory_space<vmem>> -> memref<1x128x64xf32, #tpu.memory_space<vmem>>
      %dma_wait3A_162 = tpu.memref_squeeze %dma_wait3A_161 : memref<1x128x64xf32, #tpu.memory_space<vmem>> -> memref<128x64xf32, #tpu.memory_space<vmem>>
      tpu.wait_dma2 semaphore(%run_scoped3A_138 : memref<!tpu.dma_semaphore, #tpu.memory_space<semaphore_mem>>) src(%dma_wait3A_162 : memref<128x64xf32, #tpu.memory_space<vmem>>) dst(%dma_wait3A_158 : memref<128x64xf32, #tpu.memory_space<hbm>>)
      tpu.yield
    }) : () -> ()
    return
  }
}

</mosaic_0001>

<sc_bundles>
// kernel: _emb_lookup.3.cloned.1.call-start
scs
__scs_entry_jumppad:
0x0: {  	(pc) =	sbr.rel $0x88, $3  }
0x1: {  	(tag) =	ssettag $0x0;
	lr =	simm.s32 $0x1  }
0x2: {  	[smem:$0x3F9F] =	sst lr;
	_ =	strace $0xD0000000  }
0x3: {  	_ = 	snop  }
0x4: {  	_ = 	snop  }
0x5: {  	_ = 	snop  }
0x6: {  	_ = 	snop  }
0x7: {  	_ = 	snop  }
__scs_overlays_trampoline_lowered:
0x8: {  	[smem:$0x3FAE] =	sst s0  }
0x9: {  	[smem:$0x3FAF] =	sst s1  }
0xa: {  	[smem:$0x3FB0] =	sst s2  }
0xb: {  	[smem:$0x3FB1] =	sst s3  }
0xc: {  	[smem:$0x3FB2] =	sst s4  }
0xd: {  	[smem:$0x3FB3] =	sst s5  }
0xe: {  	[smem:$0x3FB4] =	sst s6  }
0xf: {  	[smem:$0x3FB5] =	sst s7  }
0x10: {  	[smem:$0x3FB6] =	sst s8  }
0x11: {  	[smem:$0x3FB7] =	sst s9;
	s0 =	simm.s32 @!p0 $0x0  }
0x12: {  	s1 =	sld [smem:$0x3F9D];
	s0 =	simm.s32 @p0 $0x1  }
0x13: {  	[smem:$0x3FB8] =	sst s0;
	s0 =	simm.s32 @!p1 $0x0  }
0x14: {  	s2 =	sld [smem:$0x3F9C];
	s0 =	simm.s32 @p1 $0x1  }
0x15: {  	[smem:$0x3FB9] =	sst s0;
	s0 =	simm.s32 @!p2 $0x0  }
0x16: {  	s3 =	sld [smem:$0x3FDB];
	s0 =	simm.s32 @p2 $0x1  }
0x17: {  	s4 =	simm.s32 $0x1BF5;
	[smem:$0x3FBB] =	sst s0  }
0x18: {  	s0 =	sld [smem:$0x3F9E];
	_ =	swait.ge [sflag:s4], $0x0  }
0x19: {  	s7 =	sld [smem:$0x3F9F]  }
0x1a: {  	s8 =	sadd.s32 $0xFFFFE003, lr  }
0x1b: {  	s9 =	sadd.s32 $0xFFFFFEF7, lr;
	s5 =	simm.s32 $0xFFFFFFFF;
	p2 =	slt.u32 s8, $0xFFFFF086  }
0x1c: {  	p1 =	slt.u32 s9, $0xF7A;
	s5 =	simm.s32 @!p2 $0x0  }
0x1d: {  	s5 =	simm.s32 @p1 $0x1;
	p0 =	seq.s32 s7, s2  }
0x1e: {  	s7 =	smul.u32 @!p0 $0xF7A, s2;
	p2 =	seq.s32 @!p0 s5, $0x0  }
0x1f: {  	s9 =	smul.u32 $0xF7A, s1;
	s8 =	simm.s32 @!p0 $0x1BF5;
	p2 =	por !p2, p0  }
0x20: {  	[sflag:s8] =	ssyncset.s32 @!p0 $0xFFFFF086;
	s6 =	sadd.s32 @!p0 s3, s7;
	s7 =	simm.s32 @!p0 $0x108  }
0x21: {  	s3 =	sadd.s32 s3, s9;
	s6 =	sadd.s32 @!p0 $0x88, s6;
	s7 =	simm.s32 @p2 $0x1082  }
0x22: {  	[simem:s7], [sflag:s8] =	dma.local @!p0 [hbm:s6], $0xF7A  }
0x23: {  	s9 =	sor.u32 $0xD0000000, s2;
	s6 =	simm.s32 $0x108;
	_ =	swait.ge @!p0 [sflag:s8], $0x0  }
0x24: {  	s3 =	sadd.s32 $0x88, s3;
	s6 =	simm.s32 @!p1 $0x1082;
	[sflag:s4] =	ssyncset.s32 $0xFFFFF086  }
0x25: {  	[simem:s6], [sflag:s4] =	dma.local [hbm:s3], $0xF7A  }
0x26: {  	[smem:$0x3F9F] =	sst s1;
	(tag) =	ssettag s2;
	_ =	strace s9  }
0x27: {  	s1 =	sld [smem:$0x3FAF]  }
0x28: {  	s2 =	sld [smem:$0x3FB0]  }
0x29: {  	s4 =	sld [smem:$0x3FB2]  }
0x2a: {  	p0 =	seq.s32 s5, $0x0;
	s5 =	sld [smem:$0x3FB3]  }
0x2b: {  	s6 =	sld [smem:$0x3FB4]  }
0x2c: {  	s7 =	sld [smem:$0x3FB5]  }
0x2d: {  	s3 =	simm.s32 $0x108;
	s8 =	sld [smem:$0x3FB6]  }
0x2e: {  	s3 =	simm.s32 @!p0 $0x1082;
	s9 =	sld [smem:$0x3FB7]  }
0x2f: {  	lr =	sadd.s32 s0, s3;
	s0 =	sld [smem:$0x3FAE]  }
0x30: {  	s3 =	sld [smem:$0x3FB1]  }
0x31: {  	[smem:$0x3FBA] =	sst s10  }
0x32: {  	s10 =	sld [smem:$0x3FB8];
	_ =	sdelay $0x3  }
0x33: {  	p0 =	seq.s32 s10, $0x1;
	s10 =	sld [smem:$0x3FBA];
	_ =	sdelay $0x3  }
0x34: {  	[smem:$0x3FBA] =	sst s10  }
0x35: {  	s10 =	sld [smem:$0x3FB9];
	_ =	sdelay $0x3  }
0x36: {  	p1 =	seq.s32 s10, $0x1;
	s10 =	sld [smem:$0x3FBA];
	_ =	sdelay $0x3  }
0x37: {  	[smem:$0x3FBA] =	sst s10  }
0x38: {  	s10 =	sld [smem:$0x3FBB]  }
0x39: {  	_ = 	snop;
	(pc) =	sbr.ind lr, $3  }
0x3a: {  	_ = 	snop  }
0x3b: {  	_ = 	snop  }
0x3c: {  	p2 =	seq.s32 s10, $0x1;
	s10 =	sld [smem:$0x3FBA]  }
0x3d: {  	_ =	shalt  }
0x3e: {  	_ =	shalt  }
0x3f: {  	_ =	shalt  }
0x40: {  	_ =	shalt  }
0x41: {  	_ =	shalt  }
0x42: {  	_ =	shalt  }
0x43: {  	_ =	shalt  }
0x44: {  	_ =	shalt  }
0x45: {  	_ =	shalt  }
0x46: {  	_ =	shalt  }
0x47: {  	_ =	shalt  }
0x48: {  	_ =	shalt  }
0x49: {  	_ =	shalt  }
0x4a: {  	_ =	shalt  }
0x4b: {  	_ =	shalt  }
0x4c: {  	_ =	shalt  }
0x4d: {  	_ =	shalt  }
0x4e: {  	_ =	shalt  }
0x4f: {  	_ =	shalt  }
0x50: {  	_ =	shalt  }
0x51: {  	_ =	shalt  }
0x52: {  	_ =	shalt  }
0x53: {  	_ =	shalt  }
0x54: {  	_ =	shalt  }
0x55: {  	_ =	shalt  }
0x56: {  	_ =	shalt  }
0x57: {  	_ =	shalt  }
0x58: {  	_ =	shalt  }
0x59: {  	_ =	shalt  }
0x5a: {  	_ =	shalt  }
0x5b: {  	_ =	shalt  }
0x5c: {  	_ =	shalt  }
0x5d: {  	_ =	shalt  }
0x5e: {  	_ =	shalt  }
0x5f: {  	_ =	shalt  }
0x60: {  	_ =	shalt  }
0x61: {  	_ =	shalt  }
0x62: {  	_ =	shalt  }
0x63: {  	_ =	shalt  }
0x64: {  	_ =	shalt  }
0x65: {  	_ =	shalt  }
0x66: {  	_ =	shalt  }
0x67: {  	_ =	shalt  }
0x68: {  	_ =	shalt  }
0x69: {  	_ =	shalt  }
0x6a: {  	_ =	shalt  }
0x6b: {  	_ =	shalt  }
0x6c: {  	_ =	shalt  }
0x6d: {  	_ =	shalt  }
0x6e: {  	_ =	shalt  }
0x6f: {  	_ =	shalt  }
0x70: {  	_ =	shalt  }
0x71: {  	_ =	shalt  }
0x72: {  	_ =	shalt  }
0x73: {  	_ =	shalt  }
0x74: {  	_ =	shalt  }
0x75: {  	_ =	shalt  }
0x76: {  	_ =	shalt  }
0x77: {  	_ =	shalt  }
0x78: {  	_ =	shalt  }
0x79: {  	_ =	shalt  }
0x7a: {  	_ =	shalt  }
0x7b: {  	_ =	shalt  }
0x7c: {  	_ =	shalt  }
0x7d: {  	_ =	shalt  }
0x7e: {  	_ =	shalt  }
0x7f: {  	_ =	shalt  }
0x80: {  	_ =	shalt  }
0x81: {  	_ =	shalt  }
0x82: {  	_ =	shalt  }
0x83: {  	_ =	shalt  }
0x84: {  	_ =	shalt  }
0x85: {  	_ =	shalt  }
0x86: {  	_ =	shalt  }
0x87: {  	_ =	shalt  }
.Lfunc_end0:
.L_simem_size_0:
called_computation.1_lowered:
.L_overlay_start_0:
0x88: {  	s2 =	sld [smem:$0x3FD9]  }
0x89: {  	s3 =	sld [smem:$0x3FFE];
	_ =	sdelay $0x1  }
0x8a: {  	s1 =	srdreg.scid  }
0x8b: {  	s0 =	sand.u32 $0x1, s1  }
0x8c: {  	s17 =	sshll.u32 s0, $0xA;
	s2 =	sadd.s32 s3, s2  }
0x8d: {  	s2 =	sadd.s32 s2, s17  }
0x8e: {  	[smem:$0x3FC6] =	sst s2  }
0x8f: {  	_ = 	snop  }
0x90: {  	s2 =	sld [smem:$0x3FC9]  }
0x91: {  	s18 =	sld [smem:$0x3FD0];
	(tm) =	ssettm $0x1  }
0x92: {  	s4 =	sld [smem:$0x3FFB];
	_ =	sdelay $0x3  }
0x93: {  	_ =	strace s4  }
0x94: {  	s4 =	sld [smem:$0x3FFC];
	_ =	sdelay $0x3  }
0x95: {  	_ =	strace s4  }
0x96: {  	s4 =	sld [smem:$0x3FFD];
	_ =	sdelay $0x3  }
0x97: {  	_ =	strace s4  }
0x98: {  	_ =	strace $0x8FFFFFFF  }
0x99: {  	s19 =	sld [smem:$0x3FDB];
	_ =	sdelay $0x1  }
0x9a: {  	s5 =	simm.s32 $_scs_section_size  }
0x9b: {  	s6 =	simm.s32 $_size__tile_overlayer_lowered;
	s7 =	simm.s32 $_tile_overlayer_lowered  }
0x9c: {  	s22 =	simm.s32 $0x1BFF;
	s21 =	sshll.u32 s7, $0x1;
	s4 =	sadd.s32 s5, s19  }
0x9d: {  	s8 =	simm.s32 $0x0;
	s20 =	sshll.u32 s6, $0x1;
	s6 =	sadd.s32 s21, s4  }
0x9e: {  	[timem:s8], [sflag:s22] =	dma.local [hbm:s6], s20  }
0x9f: {  	_ =	swait.ge [sflag:s22], s20  }
0xa0: {  	s5 =	ssub.s32 $0x0, s20;
	[sflag:s22] =	ssyncset.done $0x0  }
0xa1: {  	[sflag:s22] =	ssyncadd.s32 s5;
	_ =	sdelay $0x1  }
0xa2: {  	s23 =	simm.s32 $0x1B8B  }
0xa3: {  	_ =	swait.ge [sflag:s23], $0x1  }
0xa4: {  	[sflag:s23] =	ssyncset.done $0x0  }
0xa5: {  	s25 =	simm.s32 $0x1B8E;
	s24 =	sld [smem:$0x3FFE];
	[sflag:s23] =	ssyncadd.s32 $0xFFFFFFFF  }
0xa6: {  	s26 =	simm.s32 $execute0_lowered;
	[smem:$0x3FD2] =	sst s25  }
0xa7: {  	s6 =	sshll.u32 s26, $0x1;
	_ =	strace $0x80000046;
	[dreg:$0x1] =	wrdreg $0xFFFFFFFF  }
0xa8: {  	s28 =	simm.s32 $_size_execute0_lowered;
	s4 =	sadd.s32 s4, s6;
	[dreg:$0x0] =	wrdreg $0x0  }
0xa9: {  	s6 =	sshll.u32 s28, $0x1;
	[dreg:$0x2] =	wrdreg s4  }
0xaa: {  	[dreg:$0x3] =	wrdreg s6  }
0xab: {  	[dreg:$0x4] =	wrdreg $0xC0  }
0xac: {  	_ =	task [dreg:s8], $0x5FFFF  }
0xad: {  	[dreg:$0x1] =	wrdreg $0xFFFFFFFF  }
0xae: {  	[dreg:$0x0] =	wrdreg $0x60  }
0xaf: {  	[dreg:$0x2] =	wrdreg s2  }
0xb0: {  	[dreg:$0x3] =	wrdreg s24  }
0xb1: {  	[dreg:$0x4] =	wrdreg s18  }
0xb2: {  	[dreg:$0x5] =	wrdreg $0x9  }
0xb3: {  	_ =	task.clear_ibuf [dreg:s8], $0x6FFFF;
	_ =	strace $0x90000046  }
0xb4: {  	s29 =	simm.s32 $0x9;
	_ =	strace $0x80000048  }
0xb5: {  	_ =	swait.ge [sflag:s29], $0x1  }
0xb6: {  	[sflag:s29] =	ssyncadd.s32 $0xFFFFFFFF  }
0xb7: {  	_ =	strace $0x90000048  }
0xb8: {  	_ =	sfence  }
0xb9: {  	s30 =	sld [smem:$0x0];
	_ =	sdelay $0x2  }
0xba: {  	s31 =	sshll.u32 s1, $0xD;
	s1 =	sshrl.u32 s1, $0x2  }
0xbb: {  	s3 =	sand.u32 $0x4000, s31;
	s1 =	sadd.s32 s1, s30  }
0xbc: {  	s0 =	sor.u32 s3, s0;
	s1 =	sshll.u32 s1, $0x11  }
0xbd: {  	s0 =	sor.u32 s1, s0  }
0xbe: {  	s0 =	sadd.s32 $0x8F2B, s0  }
0xbf: {  	[sflag:s0] =	ssyncadd.remote.s32 $0x1  }
0xc0: {  	_ =	sfence.sel $0xFFFF  }
0xc1: {  	[dreg:$0x0] =	wrdreg $0xFFFFFFFF;
	(pc) =	sbr.abs _section_cstart, $3  }
0xc2: {  	[dreg:$0x1] =	wrdreg $0xFFFFFFFF  }
0xc3: {  	_ =	task.clear_ibuf [dreg:s8], $0x2FFFF;
	_ =	strace $0x9FFFFFFF  }
0xc4: {  	(tm) =	ssettm $0x7FFFFFFF  }
0xc5: {  	_ =	shalt  }
tec
execute0_lowered:
.L_overlay_start_1:
0x0: {  	(tag) =	ssettag $0x1  }
0x1: {  	s4 =	rddreg [dreg:$0x0]  }
0x2: {  	s1 =	srdreg.scid;
	s3 =	rddreg [dreg:$0x1]  }
0x3: {  	s0 =	stileid.u32;
	s10 =	rddreg [dreg:$0x2];
	s2 =	simm.s32 $0x0  }
0x4: {  	s15 =	simm.s32 $0x80;
	s16 =	simm.s32 $0x6400;
	s17 =	simm.s32 $0x8400  }
0x5: {  	s18 =	simm.s32 $0x100;
	s19 =	simm.s32 $0xA400;
	s20 =	simm.s32 $0x180  }
0x6: {  	s21 =	simm.s32 $0xC400;
	s22 =	simm.s32 $0x1;
	s23 =	simm.s32 $0x2  }
0x7: {  	s24 =	simm.s32 $0x3;
	s25 =	simm.s32 $0x4;
	s9 =	smul.u32 $0x320000, s0  }
0x8: {  	s26 =	simm.s32 $0x0;
	s5 =	sand.u32 $0x1, s1;
	s12 =	smul.u32 $0xC800, s0  }
0x9: {  	s28 =	sshll.u32 s0, $0x1;
	[smem:$0x7FF] =	sst s2;
	s29 =	smul.u32 $0x6400, s5  }
0xa: {  	s6 =	sor.u32 s5, s28;
	s8 =	ssub.s32 $0x2, s5;
	s14 =	smul.u32 $0x190000, s5  }
0xb: {  	s3 =	sadd.s32 $0xF42C00, s3;
	s7 =	smul.u32 $0xC80, s6;
	s11 =	sshrl.u32 s8, $0x1  }
0xc: {  	_ =	strace $0x80000047;
	s6 =	smul.u32 $0x190000, s6;
	s11 =	ssub.s32 s8, s11  }
0xd: {  	s8 =	sadd.s32 s29, s12;
	s9 =	sadd.s32 s14, s9;
	s14 =	simm.s32 $0x5  }
0xe: {  	s6 =	sshrl.u32 s6, $0x3;
	s4 =	sadd.s32 s4, s7;
	s12 =	sshll.u32 s8, $0x3  }
0xf: {  	s30 =	sshrl.u32 s9, $0x3;
	s9 =	smax.u32 s11, $0x1;
	s13 =	sadd.s32 s10, s6  }
0x10: {  	s31 =	sadd.s32 s12, s10;
	s10 =	sadd.s32 s30, s10;
	s5 =	sadd.s32 $0x31000, s13  }
0x11: {  	s6 =	sadd.s32 $0x31400, s13;
	s7 =	sadd.s32 $0x31800, s13;
	s8 =	sadd.s32 $0x31C00, s13  }
0x12: {  	s11 =	sadd.s32 $0xC00, s31;
	s12 =	sadd.s32 $0x800, s31;
	s13 =	sadd.s32 $0x400, s31  }
.LBB2_1:
0x13: {  	[tilespmem:s2], [sflag:$0x5] =	stream.linear.gather [hbm4b:s4+s2], $0x6400, $0x38;
	[tilespmem:$0xE400] =	vst v63  }
0x14: {  	_ =	swait.ge [sflag:s14], $0x6400  }
0x15: {  	[sflag:s14] =	ssyncset.done $0x0  }
0x16: {  	[sflag:s14] =	ssyncadd.s32 $0xFFFF9C00  }
0x17: {  	[tilespmem:s16], [sflag:$0x1] =	stream.indirect.gather [hbm4b:s3+s15], $0x40, s2, s15, $0xb8;
	[tilespmem:$0xE400] =	vst v63  }
0x18: {  	_ = 	snop  }
0x19: {  	[tilespmem:s17], [sflag:$0x2] =	stream.indirect.gather [hbm4b:s3+s15], $0x40, s15, s15, $0xb8;
	[tilespmem:$0xE400] =	vst v63  }
0x1a: {  	_ = 	snop  }
0x1b: {  	[tilespmem:s19], [sflag:$0x3] =	stream.indirect.gather [hbm4b:s3+s15], $0x40, s18, s15, $0xb8;
	[tilespmem:$0xE400] =	vst v63  }
0x1c: {  	_ = 	snop  }
0x1d: {  	[tilespmem:s21], [sflag:$0x4] =	stream.indirect.gather [hbm4b:s3+s15], $0x40, s20, s15, $0xb8;
	[tilespmem:$0xE400] =	vst v63  }
0x1e: {  	_ =	swait.ge [sflag:s22], $0x2000  }
0x1f: {  	[sflag:s22] =	ssyncset.done $0x0  }
0x20: {  	s28 =	sadd.s32 $0x0, s10;
	[sflag:s22] =	ssyncadd.s32 $0xFFFFE000  }
0x21: {  	[hbm4b:s28+s2] =	stream.linear.scatter [tilespmem:s16], [sflag:$0x5], $0x2000, $0x38;
	[tilespmem:$0xE400] =	vst v63  }
0x22: {  	_ =	swait.ge [sflag:s14], $0x2000  }
0x23: {  	[sflag:s14] =	ssyncset.done $0x0  }
0x24: {  	s28 =	simm.s32 $0x200;
	[sflag:s14] =	ssyncadd.s32 $0xFFFFE000  }
0x25: {  	[tilespmem:s16], [sflag:$0x1] =	stream.indirect.gather [hbm4b:s3+s15], $0x40, s28, s15, $0xb8;
	[tilespmem:$0xE400] =	vst v63  }
0x26: {  	_ =	swait.ge [sflag:s23], $0x2000  }
0x27: {  	[sflag:s23] =	ssyncset.done $0x0  }
0x28: {  	s28 =	sadd.s32 $0x0, s13;
	[sflag:s23] =	ssyncadd.s32 $0xFFFFE000  }
0x29: {  	[hbm4b:s28+s2] =	stream.linear.scatter [tilespmem:s17], [sflag:$0x5], $0x2000, $0x38;
	[tilespmem:$0xE400] =	vst v63  }
0x2a: {  	_ =	swait.ge [sflag:s14], $0x2000  }
0x2b: {  	[sflag:s14] =	ssyncset.done $0x0  }
0x2c: {  	s28 =	simm.s32 $0x280;
	[sflag:s14] =	ssyncadd.s32 $0xFFFFE000  }
0x2d: {  	[tilespmem:s17], [sflag:$0x2] =	stream.indirect.gather [hbm4b:s3+s15], $0x40, s28, s15, $0xb8;
	[tilespmem:$0xE400] =	vst v63  }
0x2e: {  	_ =	swait.ge [sflag:s24], $0x2000  }
0x2f: {  	[sflag:s24] =	ssyncset.done $0x0  }
0x30: {  	s28 =	sadd.s32 $0x0, s12;
	[sflag:s24] =	ssyncadd.s32 $0xFFFFE000  }
0x31: {  	[hbm4b:s28+s2] =	stream.linear.scatter [tilespmem:s19], [sflag:$0x5], $0x2000, $0x38;
	[tilespmem:$0xE400] =	vst v63  }
0x32: {  	_ =	swait.ge [sflag:s14], $0x2000  }
0x33: {  	[sflag:s14] =	ssyncset.done $0x0  }
0x34: {  	s28 =	simm.s32 $0x300;
	[sflag:s14] =	ssyncadd.s32 $0xFFFFE000  }
0x35: {  	[tilespmem:s19], [sflag:$0x3] =	stream.indirect.gather [hbm4b:s3+s15], $0x40, s28, s15, $0xb8;
	[tilespmem:$0xE400] =	vst v63  }
0x36: {  	_ =	swait.ge [sflag:s25], $0x2000  }
0x37: {  	[sflag:s25] =	ssyncset.done $0x0  }
0x38: {  	s28 =	sadd.s32 $0x0, s11;
	[sflag:s25] =	ssyncadd.s32 $0xFFFFE000  }
0x39: {  	[hbm4b:s28+s2] =	stream.linear.scatter [tilespmem:s21], [sflag:$0x5], $0x2000, $0x38;
	[tilespmem:$0xE400] =	vst v63  }
0x3a: {  	_ =	swait.ge [sflag:s14], $0x2000  }
0x3b: {  	s29 =	simm.s32 $0x1000;
	[sflag:s14] =	ssyncset.done $0x0  }
0x3c: {  	s30 =	simm.s32 $0x580;
	s28 =	simm.s32 $0x380;
	[sflag:s14] =	ssyncadd.s32 $0xFFFFE000  }
.LBB2_2:
0x3d: {  	[tilespmem:s21], [sflag:$0x4] =	stream.indirect.gather [hbm4b:s3+s15], $0x40, s28, s15, $0xb8;
	[tilespmem:$0xE400] =	vst v63  }
0x3e: {  	s31 =	smov.u32 s29;
	s28 =	smov.u32 s30  }
0x3f: {  	p0 =	sne.s32 s29, $0x30000;
	s29 =	sadd.s32 $0x1000, s29;
	_ =	swait.ge [sflag:s22], $0x2000  }
0x40: {  	[sflag:s22] =	ssyncset.done $0x0  }
0x41: {  	s1 =	sadd.s32 s31, s10;
	[sflag:s22] =	ssyncadd.s32 $0xFFFFE000  }
0x42: {  	[hbm4b:s1+s2] =	stream.linear.scatter [tilespmem:s16], [sflag:$0x5], $0x2000, $0x38;
	[tilespmem:$0xE400] =	vst v63  }
0x43: {  	_ =	swait.ge [sflag:s14], $0x2000  }
0x44: {  	[sflag:s14] =	ssyncset.done $0x0  }
0x45: {  	s1 =	sadd.s32 $0xFFFFFE80, s30;
	[sflag:s14] =	ssyncadd.s32 $0xFFFFE000  }
0x46: {  	[tilespmem:s16], [sflag:$0x1] =	stream.indirect.gather [hbm4b:s3+s15], $0x40, s1, s15, $0xb8;
	[tilespmem:$0xE400] =	vst v63  }
0x47: {  	_ =	swait.ge [sflag:s23], $0x2000  }
0x48: {  	[sflag:s23] =	ssyncset.done $0x0  }
0x49: {  	s1 =	sadd.s32 s31, s13;
	[sflag:s23] =	ssyncadd.s32 $0xFFFFE000  }
0x4a: {  	[hbm4b:s1+s2] =	stream.linear.scatter [tilespmem:s17], [sflag:$0x5], $0x2000, $0x38;
	[tilespmem:$0xE400] =	vst v63  }
0x4b: {  	_ =	swait.ge [sflag:s14], $0x2000  }
0x4c: {  	[sflag:s14] =	ssyncset.done $0x0  }
0x4d: {  	s1 =	sadd.s32 $0xFFFFFF00, s30;
	[sflag:s14] =	ssyncadd.s32 $0xFFFFE000  }
0x4e: {  	[tilespmem:s17], [sflag:$0x2] =	stream.indirect.gather [hbm4b:s3+s15], $0x40, s1, s15, $0xb8;
	[tilespmem:$0xE400] =	vst v63  }
0x4f: {  	_ =	swait.ge [sflag:s24], $0x2000  }
0x50: {  	[sflag:s24] =	ssyncset.done $0x0  }
0x51: {  	s1 =	sadd.s32 s31, s12;
	[sflag:s24] =	ssyncadd.s32 $0xFFFFE000  }
0x52: {  	[hbm4b:s1+s2] =	stream.linear.scatter [tilespmem:s19], [sflag:$0x5], $0x2000, $0x38;
	[tilespmem:$0xE400] =	vst v63  }
0x53: {  	_ =	swait.ge [sflag:s14], $0x2000  }
0x54: {  	[sflag:s14] =	ssyncset.done $0x0  }
0x55: {  	s1 =	sadd.s32 $0xFFFFFF80, s30;
	[sflag:s14] =	ssyncadd.s32 $0xFFFFE000  }
0x56: {  	[tilespmem:s19], [sflag:$0x3] =	stream.indirect.gather [hbm4b:s3+s15], $0x40, s1, s15, $0xb8;
	[tilespmem:$0xE400] =	vst v63  }
0x57: {  	_ =	swait.ge [sflag:s25], $0x2000  }
0x58: {  	[sflag:s25] =	ssyncset.done $0x0  }
.Ltmp0:
0x59: {  	s1 =	sadd.s32 s31, s11;
	[sflag:s25] =	ssyncadd.s32 $0xFFFFE000;
	(pc) =	sbr.rel @p0 .LBB2_2-.Ltmp0, $4  }
0x5a: {  	[hbm4b:s1+s2] =	stream.linear.scatter [tilespmem:s21], [sflag:$0x5], $0x2000, $0x38;
	[tilespmem:$0xE400] =	vst v63  }
0x5b: {  	_ =	swait.ge [sflag:s14], $0x2000  }
0x5c: {  	[sflag:s14] =	ssyncset.done $0x0  }
0x5d: {  	s30 =	sadd.s32 $0x200, s30;
	[sflag:s14] =	ssyncadd.s32 $0xFFFFE000  }
0x5e: {  	[tilespmem:s21], [sflag:$0x4] =	stream.indirect.gather [hbm4b:s3+s15], $0x40, s28, s15, $0xb8;
	[tilespmem:$0xE400] =	vst v63  }
0x5f: {  	_ =	swait.ge [sflag:s22], $0x2000  }
0x60: {  	[sflag:s22] =	ssyncset.done $0x0  }
0x61: {  	[sflag:s22] =	ssyncadd.s32 $0xFFFFE000  }
0x62: {  	[hbm4b:s5+s2] =	stream.linear.scatter [tilespmem:s16], [sflag:$0x5], $0x2000, $0x38;
	[tilespmem:$0xE400] =	vst v63  }
0x63: {  	_ =	swait.ge [sflag:s14], $0x2000  }
0x64: {  	[sflag:s14] =	ssyncset.done $0x0  }
0x65: {  	[sflag:s14] =	ssyncadd.s32 $0xFFFFE000  }
0x66: {  	_ =	swait.ge [sflag:s23], $0x2000  }
0x67: {  	[sflag:s23] =	ssyncset.done $0x0  }
0x68: {  	[sflag:s23] =	ssyncadd.s32 $0xFFFFE000  }
0x69: {  	[hbm4b:s6+s2] =	stream.linear.scatter [tilespmem:s17], [sflag:$0x5], $0x2000, $0x38;
	[tilespmem:$0xE400] =	vst v63  }
0x6a: {  	_ =	swait.ge [sflag:s14], $0x2000  }
0x6b: {  	[sflag:s14] =	ssyncset.done $0x0  }
0x6c: {  	[sflag:s14] =	ssyncadd.s32 $0xFFFFE000  }
0x6d: {  	_ =	swait.ge [sflag:s24], $0x2000  }
0x6e: {  	[sflag:s24] =	ssyncset.done $0x0  }
0x6f: {  	[sflag:s24] =	ssyncadd.s32 $0xFFFFE000  }
0x70: {  	[hbm4b:s7+s2] =	stream.linear.scatter [tilespmem:s19], [sflag:$0x5], $0x2000, $0x38;
	[tilespmem:$0xE400] =	vst v63  }
0x71: {  	_ =	swait.ge [sflag:s14], $0x2000  }
0x72: {  	[sflag:s14] =	ssyncset.done $0x0  }
0x73: {  	[sflag:s14] =	ssyncadd.s32 $0xFFFFE000  }
0x74: {  	s26 =	sadd.s32 $0x1, s26;
	_ =	swait.ge [sflag:s25], $0x2000  }
0x75: {  	p0 =	sne.s32 s26, s9;
	[sflag:s25] =	ssyncset.done $0x0  }
.Ltmp1:
0x76: {  	[sflag:s25] =	ssyncadd.s32 $0xFFFFE000;
	(pc) =	sbr.rel @p0 .LBB2_1-.Ltmp1, $4  }
0x77: {  	[hbm4b:s8+s2] =	stream.linear.scatter [tilespmem:s21], [sflag:$0x5], $0x2000, $0x38;
	[tilespmem:$0xE400] =	vst v63  }
0x78: {  	_ =	swait.ge [sflag:s14], $0x2000  }
0x79: {  	[sflag:s14] =	ssyncset.done $0x0  }
0x7a: {  	[sflag:s14] =	ssyncadd.s32 $0xFFFFE000  }
0x7b: {  	_ =	sfence.sel $0x180000  }
0x7c: {  	[bflag:$0x0] =	sbarrier.arrive $0xFFFF  }
0x7d: {  	_ =	strace $0x90000047  }
0x7e: {  	[bflag:$0x2] =	sbarrier.arrive $0xFFFF  }
0x7f: {  	p0 =	sne.s32 s0, $0x0;
	s0 =	rddreg [dreg:$0x3]  }
0x80: {  	s0 =	sadd.s32 @!p0 $0x100000, s0  }
0x81: {  	[sflag:s0] =	ssyncadd.tile.s32 @!p0 $0x1;
	_ =	shalt  }
.Lfunc_end2:
_tile_overlayer_lowered:
.L_overlay_start_2:
0x82: {  	(tag) =	ssettag $0x2  }
0x83: {  	s0 =	rddreg [dreg:$0x0];
	s2 =	stileid.u32  }
0x84: {  	s1 =	rddreg [dreg:$0x1];
	p0 =	sne.s32 s2, $0x0  }
0x85: {  	s3 =	rddreg [dreg:$0x2];
	[bflag:$0x3] =	sbarrier.arrive $0xFFFF;
	s2 =	simm.s32 @!p0 $0x1C05  }
0x86: {  	[timem:s3], [sflag:s2] =	dma.local @!p0 [hbm:s0], s1  }
0x87: {  	s0 =	simm.s32 @!p0 $0x5  }
0x88: {  	_ =	swait.ge @!p0 [sflag:s0], s1  }
0x89: {  	s1 =	ssub.s32 @!p0 $0x0, s1;
	[sflag:s0] =	ssyncset.done @!p0 $0x0  }
0x8a: {  	[sflag:s0] =	ssyncadd.s32 @!p0 s1  }
0x8b: {  	[bflag:$0x3] =	sbarrier.arrive $0xFFFF  }
0x8c: {  	_ =	shalt  }

// kernel: sparse-core-data-format-call.cloned.1.call-start
scs
called_computation_lowered:
.L_overlay_start_0:
0x0: {  	s2 =	sld [smem:$0x3FD9]  }
0x1: {  	s3 =	sld [smem:$0x3FFE];
	_ =	sdelay $0x1  }
0x2: {  	s1 =	srdreg.scid  }
0x3: {  	s0 =	sand.u32 $0x1, s1  }
0x4: {  	s18 =	sshll.u32 s0, $0xA;
	s2 =	sadd.s32 s3, s2  }
0x5: {  	s2 =	sadd.s32 s2, s18  }
0x6: {  	[smem:$0x3FC6] =	sst s2  }
0x7: {  	_ = 	snop  }
0x8: {  	s2 =	sld [smem:$0x3FD0];
	(tm) =	ssettm $0x1  }
0x9: {  	s19 =	sld [smem:$0x3FFB];
	_ =	sdelay $0x3  }
0xa: {  	_ =	strace s19  }
0xb: {  	s3 =	sld [smem:$0x3FFC];
	_ =	sdelay $0x3  }
0xc: {  	_ =	strace s3  }
0xd: {  	s3 =	sld [smem:$0x3FFD];
	_ =	sdelay $0x3  }
0xe: {  	_ =	strace s3  }
0xf: {  	_ =	strace $0x8FFFFFFF  }
0x10: {  	s20 =	sld [smem:$0x3FDB];
	_ =	sdelay $0x1  }
0x11: {  	s4 =	simm.s32 $_scs_section_size  }
0x12: {  	s5 =	simm.s32 $_size__tile_overlayer_lowered;
	s6 =	simm.s32 $_tile_overlayer_lowered  }
0x13: {  	s23 =	simm.s32 $0x1BFF;
	s22 =	sshll.u32 s6, $0x1;
	s3 =	sadd.s32 s4, s20  }
0x14: {  	s7 =	simm.s32 $0x0;
	s21 =	sshll.u32 s5, $0x1;
	s5 =	sadd.s32 s22, s3  }
0x15: {  	[timem:s7], [sflag:s23] =	dma.local [hbm:s5], s21  }
0x16: {  	_ =	swait.ge [sflag:s23], s21  }
0x17: {  	s4 =	ssub.s32 $0x0, s21;
	[sflag:s23] =	ssyncset.done $0x0  }
0x18: {  	[sflag:s23] =	ssyncadd.s32 s4;
	_ =	sdelay $0x1  }
0x19: {  	s24 =	simm.s32 $0x1B8B  }
0x1a: {  	_ =	swait.ge [sflag:s24], $0x1  }
0x1b: {  	[sflag:s24] =	ssyncset.done $0x0  }
0x1c: {  	s26 =	simm.s32 $0x1B8E;
	s25 =	sld [smem:$0x3FFE];
	[sflag:s24] =	ssyncadd.s32 $0xFFFFFFFF  }
0x1d: {  	s27 =	simm.s32 $execute0_lowered;
	[smem:$0x3FD2] =	sst s26  }
0x1e: {  	s5 =	sshll.u32 s27, $0x1;
	_ =	strace $0x80000049;
	[dreg:$0x1] =	wrdreg $0xFFFFFFFF  }
0x1f: {  	s28 =	simm.s32 $_size_execute0_lowered;
	s3 =	sadd.s32 s3, s5;
	[dreg:$0x0] =	wrdreg $0x0  }
0x20: {  	s5 =	sshll.u32 s28, $0x1;
	[dreg:$0x2] =	wrdreg s3  }
0x21: {  	[dreg:$0x3] =	wrdreg s5  }
0x22: {  	[dreg:$0x4] =	wrdreg $0xC0  }
0x23: {  	_ =	task [dreg:s7], $0x5FFFF  }
0x24: {  	[dreg:$0x1] =	wrdreg $0xFFFFFFFF  }
0x25: {  	[dreg:$0x0] =	wrdreg $0x60  }
0x26: {  	[dreg:$0x2] =	wrdreg s25  }
0x27: {  	[dreg:$0x3] =	wrdreg s2  }
0x28: {  	[dreg:$0x4] =	wrdreg $0x9  }
0x29: {  	_ =	task.clear_ibuf [dreg:s7], $0x5FFFF;
	_ =	strace $0x90000049  }
0x2a: {  	s29 =	simm.s32 $0x9;
	_ =	strace $0x8000004B  }
0x2b: {  	_ =	swait.ge [sflag:s29], $0x1  }
0x2c: {  	[sflag:s29] =	ssyncadd.s32 $0xFFFFFFFF  }
0x2d: {  	_ =	strace $0x9000004B  }
0x2e: {  	_ =	sfence  }
0x2f: {  	s30 =	sld [smem:$0x0];
	_ =	sdelay $0x2  }
0x30: {  	s31 =	sshll.u32 s1, $0xD;
	s1 =	sshrl.u32 s1, $0x2  }
0x31: {  	s3 =	sand.u32 $0x4000, s31;
	s1 =	sadd.s32 s1, s30  }
0x32: {  	s0 =	sor.u32 s3, s0;
	s1 =	sshll.u32 s1, $0x11  }
0x33: {  	s0 =	sor.u32 s1, s0  }
0x34: {  	s0 =	sadd.s32 $0x8F2B, s0  }
0x35: {  	[sflag:s0] =	ssyncadd.remote.s32 $0x1  }
0x36: {  	_ =	sfence.sel $0xFFFF  }
0x37: {  	[dreg:$0x0] =	wrdreg $0xFFFFFFFF;
	(pc) =	sbr.abs _section_cstart, $3  }
0x38: {  	[dreg:$0x1] =	wrdreg $0xFFFFFFFF  }
0x39: {  	_ =	task.clear_ibuf [dreg:s7], $0x2FFFF;
	_ =	strace $0x9FFFFFFF  }
0x3a: {  	(tm) =	ssettm $0x7FFFFFFF  }
0x3b: {  	_ =	shalt  }
tec
execute0_lowered:
.L_overlay_start_1:
0x0: {  	(tag) =	ssettag $0x1  }
0x1: {  	s0 =	srdreg.scid  }
0x2: {  	s1 =	sshll.u32 s0, $0x4  }
0x3: {  	s4 =	rddreg [dreg:$0x0];
	s0 =	stileid.u32;
	s1 =	sand.u32 $0x10, s1  }
0x4: {  	s2 =	rddreg [dreg:$0x1];
	s7 =	simm.s32 $0x1;
	s1 =	sor.u32 s0, s1  }
0x5: {  	s8 =	simm.s32 $0x2;
	s11 =	simm.s32 $0x0;
	s3 =	sshll.u32 s1, $0x7  }
0x6: {  	s10 =	simm.s32 $0x0;
	s4 =	sadd.s32 $0x800, s4;
	s6 =	ssub.s32 $0xC8000, s3  }
.Ltmp0:
0x7: {  	s1 =	rddreg [dreg:$0x2];
	s5 =	sand.u32 $0xF80, s6;
	(pc) =	sbr.rel .LBB1_1-.Ltmp0, $4  }
0x8: {  	_ =	strace $0x8000004A;
	s9 =	smov.u32 s3;
	p0 =	sne.s32 s5, $0x0  }
0x9: {  	s6 =	sshrl.u32 s6, $0xC;
	s5 =	simm.s32 $0x1;
	s7 =	simm.s32 @!p0 $0x0  }
0xa: {  	[sflag:s5] =	ssyncpa.u1 $0x0;
	p0 =	por $0x0, $0x0;
	s6 =	sadd.s32 s7, s6  }
0xb: {  	[sflag:s8] =	ssyncpa.u1 $0x0;
	s8 =	simm.s32 $0x640000;
	s7 =	sadd.s32 $0x1, s6  }
.LBB1_4:
0xc: {  	s14 =	sshll.u32 s11, $0x3  }
0xd: {  	s30 =	sand.u32 $0x7F, s11;
	s15 =	sand.u32 $0xFFFFFC00, s14  }
0xe: {  	s11 =	sor.u32 s30, s15  }
0xf: {  	s15 =	smulhi.u32 $0x51EB851F, s11  }
0x10: {  	s14 =	smulhi.u32 $0x51EB851F, s14  }
0x11: {  	s15 =	sshrl.u32 s15, $0x12  }
0x12: {  	s14 =	sshrl.u32 s14, $0x12;
	s15 =	smul.u32 $0xC8000, s15  }
0x13: {  	s14 =	sand.u32 $0x3F, s14  }
0x14: {  	s14 =	smul.u32 $0x19000, s14;
	s11 =	ssub.s32 s11, s15  }
0x15: {  	[tilespmem:s13+$0x810 ss:$0x81] =	vst.msk $0xffff, v2;
	s15 =	sand.u32 $0x7, s11  }
0x16: {  	[tilespmem:s13+$0x1020 ss:$0x81] =	vst.msk $0xffff, v0;
	s14 =	sadd.s32 s2, s14;
	s11 =	sshrl.u32 s11, $0x3;
	s15 =	sshll.u32 s15, $0x12  }
0x17: {  	[tilespmem:s13+$0x0 ss:$0x81] =	vst.msk $0xffff, v1;
	s11 =	sadd.s32 s11, s14;
	s31 =	sor.u32 $0x400, s15  }
0x18: {  	[hbm4b:s11+s31] =	stream.strided.scatter [tilespmem:s12], [sflag:$0x2], $0x2000, s8, s31, $0x20;
	[tilespmem:$0x8080] =	vst v63  }
.LBB1_5:
0x19: {  	s13 =	sadd.s32 $0x1000, s9  }
0x1a: {  	p2 =	sgt.s32 s13, $0xC7FFF  }
0x1b: {  	s13 =	smov.u32 @p2 s3;
	p2 =	sne.s32 s10, s7  }
.Ltmp1:
0x1c: {  	p1 =	slt.u32 s10, $0x2;
	(pc) =	sbr.rel @!p2 .LBB1_6-.Ltmp1, $4  }
0x1d: {  	s12 =	simm.s32 @!p1 $0x2  }
0x1e: {  	s14 =	sadd.s32 $0x1, s10;
	_ =	swait.ge @!p1 [sflag:s12], $0x2000  }
0x1f: {  	s11 =	smov.u32 s9;
	p0 =	por !p0, !p0;
	[sflag:s12] =	ssyncset.done @!p1 $0x0  }
0x20: {  	s10 =	smov.u32 s14;
	s9 =	smov.u32 s13;
	[sflag:s12] =	ssyncadd.s32 @!p1 $0xFFFFE000  }
.LBB1_1:
0x21: {  	p1 =	sge.u32 s10, s6  }
0x22: {  	s12 =	sand.u32 @!p1 $0x1FFFFFF, s9  }
0x23: {  	s13 =	smulhi.u32 @!p1 $0x147AE15, s12;
	_ =	sdelay $0x1  }
0x24: {  	s13 =	sshrl.u32 @!p1 s13, $0xC  }
0x25: {  	s13 =	smul.u32 @!p1 $0xC8000, s13;
	_ =	sdelay $0x1  }
0x26: {  	s31 =	sadd.s32 $0xFFFFFFFF, s10;
	s14 =	sxor.u32 @!p1 $0xFFFFFFFF, s10;
	s12 =	ssub.s32 @!p1 s12, s13  }
0x27: {  	s15 =	simm.s32 @!p1 $0x80;
	s14 =	sshll.u32 @!p1 s14, $0xD;
	s12 =	sshll.u32 @!p1 s12, $0x4  }
0x28: {  	s13 =	sand.u32 @!p1 $0x2000, s14;
	s14 =	simm.s32 @!p1 $0x40;
	s12 =	sadd.s32 @!p1 s4, s12  }
0x29: {  	[tilespmem:s13], [sflag:$0x1] =	stream.strided.gather @!p1 [hbm4b:s12+s14], $0x2000, s15, s14, $0x38;
	[tilespmem:$0x8080] =	vst v63  }
0x2a: {  	p1 =	sge.u32 s31, s6  }
.Ltmp2:
0x2b: {  	_ = 	snop;
	(pc) =	sbr.rel @p1 .LBB1_5-.Ltmp2, $1  }
0x2c: {  	_ =	sdelay $0x3  }
0x2d: {  	s12 =	simm.s32 $0x1  }
0x2e: {  	_ =	swait.ge [sflag:s5], $0x2000;
	s12 =	simm.s32 @!p0 $0x0  }
0x2f: {  	[sflag:s5] =	ssyncset.done $0x0;
	s13 =	sshll.u32 s12, $0xD  }
0x30: {  	[sflag:s5] =	ssyncadd.s32 $0xFFFFE000;
	s16 =	sor.u32 $0x20, s13  }
0x31: {  	s12 =	smul.u32 $0x8100, s12;
	v3 =	vld [tilespmem:s16+$0x10]  }
0x32: {  	s30 =	sand.u32 $0x1, s10;
	v2 =	vld [tilespmem:s16+$0xFFFFFFF0]  }
0x33: {  	s13 =	smul.u32 $0x8100, s30;
	s12 =	sshrl.u32 s12, $0x2;
	v0 =	vld [tilespmem:s16+$0x0]  }
0x34: {  	v1 =	vld [tilespmem:s16+$0xFFFFFFE0];
	s14 =	sor.u32 $0x4000, s12  }
0x35: {  	s31 =	sshrl.u32 s13, $0x2;
	s13 =	sadd.s32 $0x0, s14  }
0x36: {  	s15 =	simm.s32 $0x4;
	s16 =	sadd.s32 $0x40, s16;
	s12 =	sor.u32 $0x4000, s31;
	[tilespmem:s13+$0x1830 ss:$0x81] =	vst.msk $0xffff, v3  }
.LBB1_3:
0x37: {  	v3 =	vld [tilespmem:s16+$0x10];
	p1 =	sne.s32 s15, $0x1FC;
	[tilespmem:s13+$0x810 ss:$0x81] =	vst.msk $0xffff, v2;
	s17 =	smov.u32 s15;
	s15 =	sadd.s32 $0x4, s15  }
.Ltmp3:
0x38: {  	v2 =	vld [tilespmem:s16+$0xFFFFFFF0];
	[tilespmem:s13+$0x1020 ss:$0x81] =	vst.msk $0xffff, v0;
	(pc) =	sbr.rel @p1 .LBB1_3-.Ltmp3, $4  }
0x39: {  	v0 =	vld [tilespmem:s16+$0x0];
	[tilespmem:s13+$0x0 ss:$0x81] =	vst.msk $0xffff, v1  }
0x3a: {  	s13 =	sshra.s32 s17, $0x2;
	v1 =	vld [tilespmem:s16+$0xFFFFFFE0]  }
0x3b: {  	s13 =	sadd.s32 s13, s14  }
0x3c: {  	s16 =	sadd.s32 $0x40, s16;
	[tilespmem:s13+$0x1830 ss:$0x81] =	vst.msk $0xffff, v3  }
.Ltmp4:
0x3d: {  	_ = 	snop;
	(pc) =	sbr.rel .LBB1_4-.Ltmp4, $1  }
0x3e: {  	_ =	sdelay $0x3  }
.LBB1_6:
0x3f: {  	_ =	sfence.sel $0x180000  }
0x40: {  	s2 =	simm.s32 $0x1;
	[bflag:$0x0] =	sbarrier.arrive $0xFFFF  }
0x41: {  	s31 =	simm.s32 $0x2;
	[sflag:s2] =	ssyncpa.u1 $0x1  }
0x42: {  	[sflag:s31] =	ssyncpa.u1 $0x1  }
0x43: {  	p0 =	sne.s32 s0, $0x0;
	_ =	strace $0x9000004A  }
0x44: {  	s0 =	sadd.s32 @!p0 $0x100000, s1;
	[bflag:$0x2] =	sbarrier.arrive $0xFFFF  }
0x45: {  	[sflag:s0] =	ssyncadd.tile.s32 @!p0 $0x1;
	_ =	shalt  }
.Lfunc_end1:
_tile_overlayer_lowered:
.L_overlay_start_2:
0x46: {  	(tag) =	ssettag $0x2  }
0x47: {  	s0 =	rddreg [dreg:$0x0];
	s2 =	stileid.u32  }
0x48: {  	s1 =	rddreg [dreg:$0x1];
	p0 =	sne.s32 s2, $0x0  }
0x49: {  	s3 =	rddreg [dreg:$0x2];
	[bflag:$0x3] =	sbarrier.arrive $0xFFFF;
	s2 =	simm.s32 @!p0 $0x1C01  }
0x4a: {  	[timem:s3], [sflag:s2] =	dma.local @!p0 [hbm:s0], s1  }
0x4b: {  	s0 =	simm.s32 @!p0 $0x1  }
0x4c: {  	_ =	swait.ge @!p0 [sflag:s0], s1  }
0x4d: {  	s1 =	ssub.s32 @!p0 $0x0, s1;
	[sflag:s0] =	ssyncset.done @!p0 $0x0  }
0x4e: {  	[sflag:s0] =	ssyncadd.s32 @!p0 s1  }
0x4f: {  	[bflag:$0x3] =	sbarrier.arrive $0xFFFF  }
0x50: {  	_ =	shalt  }

</sc_bundles>
